<compile_context>
chip_gen: v7x
topology: tpu7x:2x2x1
jax: 0.10.2.dev20260603
libtpu: 0.0.44.dev20260713+nightly
codegen_flags: <defaults>
</compile_context>

<pallas_src>
import functools

import jax
import jax.numpy as jnp
from jax import lax
from jax.experimental import pallas as pl
from jax.experimental.pallas import tpu as pltpu
from jax.experimental.pallas import tpu_sc as plsc

E = 8
TOPK = 2
IN = 1024
RH = 512
RH2 = 256
H1 = 1024
H2 = 512
NC = 256
N = 2048
NB = 256
EP = 128
NT = N // NB
NBR = 1024
NTR = N // NBR
B = 256
NCH = (N * TOPK) // B + E - 1
NCHG = NCH + 1
CHA = 32
APAD = NCHG * B
NWORK = 32
RPT = APAD // NWORK
GB = 48
TPT = N // NWORK


def _router_body(x_ref, wr1_ref, br1_ref, wr2_ref, br2_ref, wr3_ref, br3_ref,
                 probs_ref, meta_ref, post_ref, runc_ref, mts_ref):
    t = pl.program_id(0)

    @pl.when(t < NTR)
    def _route():
        x = x_ref[...]
        h = jnp.maximum(
            jnp.dot(x, wr1_ref[...], preferred_element_type=jnp.float32)
            + br1_ref[...], 0.0)
        h = jnp.maximum(
            jnp.dot(h, wr2_ref[...], preferred_element_type=jnp.float32)
            + br2_ref[...], 0.0)
        s = jnp.dot(h, wr3_ref[...], preferred_element_type=jnp.float32) \
            + br3_ref[...]
        lane = lax.broadcasted_iota(jnp.int32, (NBR, EP), 1)
        s = jnp.where(lane < E, s, -1e30)
        m = jnp.max(s, axis=1, keepdims=True)
        p = jnp.exp(s - m)
        probs = p / jnp.sum(p, axis=1, keepdims=True)
        probs_ref[...] = probs
        v1 = jnp.max(probs, axis=1, keepdims=True)
        i1 = jnp.min(jnp.where(probs == v1, lane, EP), axis=1, keepdims=True)
        pm = jnp.where(lane == i1, -1.0, probs)
        v2 = jnp.max(pm, axis=1, keepdims=True)
        i2 = jnp.min(jnp.where(pm == v2, lane, EP), axis=1, keepdims=True)

        m0 = (lane == i1).astype(jnp.float32)
        m1 = (lane == i2).astype(jnp.float32)
        msum = m0 + m1
        ri = lax.broadcasted_iota(jnp.int32, (NBR, NBR), 0)
        ci = lax.broadcasted_iota(jnp.int32, (NBR, NBR), 1)
        tri = (ri > ci).astype(jnp.float32)
        within = jnp.dot(tri, msum, preferred_element_type=jnp.float32)

        @pl.when(t == 0)
        def _init():
            runc_ref[...] = jnp.zeros((1, EP), jnp.float32)

        runb = runc_ref[...]
        base = runb + within
        r0 = jnp.sum(jnp.where(lane == i1, base, 0.0), axis=1, keepdims=True)
        r1 = jnp.sum(jnp.where(lane == i2, base, 0.0), axis=1, keepdims=True)
        runc_ref[...] = runb + jnp.sum(msum, axis=0, keepdims=True)

        meta_ref[...] = (jnp.where(lane == 0, v1 * 0.5, 0.0)
                         + jnp.where(lane == 1, v2 * 0.5, 0.0))

        meta8 = jnp.concatenate(
            [i1.astype(jnp.float32), i2.astype(jnp.float32), r0, r1,
             jnp.zeros((NBR, 4), jnp.float32)], axis=1)
        mts_ref[:, pl.ds(t * NBR, NBR)] = jnp.transpose(meta8)

    @pl.when(t == NTR)
    def _positions():
        runc = runc_ref[...]
        elane = lax.broadcasted_iota(jnp.int32, (1, EP), 1)
        subl = lax.broadcasted_iota(jnp.int32, (8, N), 0)
        starts = []
        bounds = []
        run = 0.0
        for e in range(E):
            cnt_e = jnp.sum(jnp.where(elane == e, runc, 0.0))
            cc_e = jnp.floor((cnt_e + (B - 1)) * (1.0 / B))
            starts.append(run * B)
            run = run + cc_e
            bounds.append(run)
        blk = mts_ref[...]
        i1row = blk[0:1, :]
        i2row = blk[1:2, :]
        pos0 = blk[2:3, :]
        pos1 = blk[3:4, :]
        for e in range(E):
            pos0 = pos0 + jnp.where(i1row == e, starts[e], 0.0)
            pos1 = pos1 + jnp.where(i2row == e, starts[e], 0.0)
        jrow = lax.broadcasted_iota(jnp.int32, (1, N), 1).astype(jnp.float32)
        acc = jnp.zeros((1, N), jnp.float32)
        for e in range(E):
            acc = acc + (jrow >= bounds[e]).astype(jnp.float32)
        ce_row = jnp.minimum(acc, float(E - 1))
        cv_row = (acc < E).astype(jnp.float32)
        post_ref[...] = (jnp.where(subl == 0, pos0, 0.0)
                         + jnp.where(subl == 1, pos1, 0.0)
                         + jnp.where(subl == 4, ce_row, 0.0)
                         + jnp.where(subl == 5, cv_row, 0.0))


def _scatter_sc_body(post_hbm, x_hbm, xs_hbm, p0i_hbm, p1i_hbm,
                     pv, idx0v, idx1v, xbuf, s0, s1):
    c = lax.axis_index("c")
    s = lax.axis_index("s")
    w = s * 2 + c
    seg = w // 2
    half = w % 2
    dx = pltpu.async_copy(x_hbm.at[pl.ds(TPT * w, TPT)], xbuf, s0)
    pltpu.sync_copy(post_hbm.at[:, pl.ds(seg * 128, 128)], pv)
    for j in range(TPT // 16):
        idx0v[pl.ds(16 * j, 16)] = \
            pv[0, pl.ds(half * TPT + 16 * j, 16)].astype(jnp.int32)
        idx1v[pl.ds(16 * j, 16)] = \
            pv[1, pl.ds(half * TPT + 16 * j, 16)].astype(jnp.int32)
    dp0 = pltpu.async_copy(idx0v, p0i_hbm.at[pl.ds(TPT * w, TPT)], s1)
    dx.wait()
    d0 = pltpu.async_copy(xbuf, xs_hbm.at[idx0v], s0)
    dp0.wait()
    dp1 = pltpu.async_copy(idx1v, p1i_hbm.at[pl.ds(TPT * w, TPT)], s1)
    d0.wait()
    d1 = pltpu.async_copy(xbuf, xs_hbm.at[idx1v], s0)
    dp1.wait()
    d1.wait()


def _gout_sc_body(p0_hbm, p1_hbm, ys_hbm, g0_hbm, g1_hbm,
                  p0v, p1v, buf0, buf1, s0, s1, w0, w1):
    c = lax.axis_index("c")
    s = lax.axis_index("s")
    wid = s * 2 + c
    base = wid * TPT
    pltpu.sync_copy(p0_hbm.at[pl.ds(base, TPT)], p0v)
    pltpu.sync_copy(p1_hbm.at[pl.ds(base, TPT)], p1v)
    d0 = pltpu.async_copy(ys_hbm.at[p0v], buf0, s0)
    d1 = pltpu.async_copy(ys_hbm.at[p1v], buf1, s1)
    d0.wait()
    wb0 = pltpu.async_copy(buf0, g0_hbm.at[pl.ds(base, TPT)], w0)
    d1.wait()
    wb1 = pltpu.async_copy(buf1, g1_hbm.at[pl.ds(base, TPT)], w1)
    wb0.wait()
    wb1.wait()


def _experts_body(ce_ref, cv_ref, xs_ref, we1_ref, be1_ref, we2_ref, be2_ref,
                  we3_ref, be3_ref, ys_ref):
    c = pl.program_id(0)

    @pl.when(cv_ref[c] == 1)
    def _compute():
        xb = xs_ref[...]
        h1 = jnp.maximum(
            jnp.dot(xb, we1_ref[0], preferred_element_type=jnp.float32)
            + be1_ref[0], 0.0)
        h2 = jnp.maximum(
            jnp.dot(h1, we2_ref[0], preferred_element_type=jnp.float32)
            + be2_ref[0], 0.0)
        ys_ref[...] = jnp.dot(
            h2, we3_ref[0], preferred_element_type=jnp.float32) + be3_ref[0]


def _combine_body(meta_ref, g0_ref, g1_ref, out_ref):
    lane = lax.broadcasted_iota(jnp.int32, (NB, EP), 1)
    meta = meta_ref[...]
    wa = jnp.sum(jnp.where(lane == 0, meta, 0.0), axis=1, keepdims=True)
    wb = jnp.sum(jnp.where(lane == 1, meta, 0.0), axis=1, keepdims=True)
    out_ref[...] = wa * g0_ref[...] + wb * g1_ref[...]


@jax.jit
def kernel(x, Wr1, br1, Wr2, br2, Wr3, br3, We1, be1, We2, be2, We3, be3):
    wr3p = jnp.pad(Wr3, ((0, 0), (0, EP - E)))
    br3p = jnp.pad(br3, (0, EP - E)).reshape(1, EP)

    probs_full, meta, post = pl.pallas_call(
        _router_body,
        grid=(NTR + 1,),
        in_specs=[
            pl.BlockSpec((NBR, IN), lambda t: (jnp.minimum(t, NTR - 1), 0)),
            pl.BlockSpec((IN, RH), lambda t: (0, 0)),
            pl.BlockSpec((1, RH), lambda t: (0, 0)),
            pl.BlockSpec((RH, RH2), lambda t: (0, 0)),
            pl.BlockSpec((1, RH2), lambda t: (0, 0)),
            pl.BlockSpec((RH2, EP), lambda t: (0, 0)),
            pl.BlockSpec((1, EP), lambda t: (0, 0)),
        ],
        out_specs=[
            pl.BlockSpec((NBR, EP), lambda t: (jnp.minimum(t, NTR - 1), 0)),
            pl.BlockSpec((NBR, EP), lambda t: (jnp.minimum(t, NTR - 1), 0)),
            pl.BlockSpec((8, N), lambda t: (0, 0)),
        ],
        out_shape=[
            jax.ShapeDtypeStruct((N, EP), jnp.float32),
            jax.ShapeDtypeStruct((N, EP), jnp.float32),
            jax.ShapeDtypeStruct((8, N), jnp.float32),
        ],
        scratch_shapes=[pltpu.VMEM((1, EP), jnp.float32),
                        pltpu.VMEM((8, N), jnp.float32)],
        compiler_params=pltpu.CompilerParams(
            dimension_semantics=("arbitrary",)),
    )(x, Wr1, br1.reshape(1, RH), Wr2, br2.reshape(1, RH2), wr3p, br3p)

    mesh = plsc.VectorSubcoreMesh(core_axis_name="c", subcore_axis_name="s")

    chunk_expert = post[4, :CHA].astype(jnp.int32)
    chunk_valid = post[5, :CHA].astype(jnp.int32)

    scatter_sc = functools.partial(
        pl.kernel,
        out_type=[
            jax.ShapeDtypeStruct((APAD, IN), jnp.float32),
            jax.ShapeDtypeStruct((N,), jnp.int32),
            jax.ShapeDtypeStruct((N,), jnp.int32),
        ],
        mesh=mesh,
        compiler_params=pltpu.CompilerParams(needs_layout_passes=False),
        scratch_types=[
            pltpu.VMEM((8, 128), jnp.float32),
            pltpu.VMEM((TPT,), jnp.int32),
            pltpu.VMEM((TPT,), jnp.int32),
            pltpu.VMEM((TPT, IN), jnp.float32),
            pltpu.SemaphoreType.DMA,
            pltpu.SemaphoreType.DMA,
        ],
    )(_scatter_sc_body)
    xs, pos0, pos1 = scatter_sc(post, x)

    ys = pl.pallas_call(
        _experts_body,
        grid_spec=pltpu.PrefetchScalarGridSpec(
            num_scalar_prefetch=2,
            grid=(NCHG,),
            in_specs=[
                pl.BlockSpec((B, IN), lambda c, ce, cv: (c, 0)),
                pl.BlockSpec((1, IN, H1), lambda c, ce, cv: (ce[c], 0, 0)),
                pl.BlockSpec((1, 1, H1), lambda c, ce, cv: (ce[c], 0, 0)),
                pl.BlockSpec((1, H1, H2), lambda c, ce, cv: (ce[c], 0, 0)),
                pl.BlockSpec((1, 1, H2), lambda c, ce, cv: (ce[c], 0, 0)),
                pl.BlockSpec((1, H2, NC), lambda c, ce, cv: (ce[c], 0, 0)),
                pl.BlockSpec((1, 1, NC), lambda c, ce, cv: (ce[c], 0, 0)),
            ],
            out_specs=pl.BlockSpec((B, NC), lambda c, ce, cv: (c, 0)),
        ),
        out_shape=jax.ShapeDtypeStruct((APAD, NC), jnp.float32),
        compiler_params=pltpu.CompilerParams(
            dimension_semantics=("arbitrary",)),
    )(chunk_expert, chunk_valid, xs, We1, be1.reshape(E, 1, H1),
      We2, be2.reshape(E, 1, H2), We3, be3.reshape(E, 1, NC))

    gout_sc = functools.partial(
        pl.kernel,
        out_type=[
            jax.ShapeDtypeStruct((N, NC), jnp.float32),
            jax.ShapeDtypeStruct((N, NC), jnp.float32),
        ],
        mesh=mesh,
        compiler_params=pltpu.CompilerParams(needs_layout_passes=False),
        scratch_types=[
            pltpu.VMEM((TPT,), jnp.int32),
            pltpu.VMEM((TPT,), jnp.int32),
            pltpu.VMEM((TPT, NC), jnp.float32),
            pltpu.VMEM((TPT, NC), jnp.float32),
            pltpu.SemaphoreType.DMA,
            pltpu.SemaphoreType.DMA,
            pltpu.SemaphoreType.DMA,
            pltpu.SemaphoreType.DMA,
        ],
    )(_gout_sc_body)
    g0, g1 = gout_sc(pos0, pos1, ys)

    out = pl.pallas_call(
        _combine_body,
        grid=(NT,),
        in_specs=[
            pl.BlockSpec((NB, EP), lambda t: (t, 0)),
            pl.BlockSpec((NB, NC), lambda t: (t, 0)),
            pl.BlockSpec((NB, NC), lambda t: (t, 0)),
        ],
        out_specs=pl.BlockSpec((NB, NC), lambda t: (t, 0)),
        out_shape=jax.ShapeDtypeStruct((N, NC), jnp.float32),
    )(meta, g0, g1)

    return out, probs_full[:, :E]

# --- scband reference (transcript-rebuilt; emitter-appended) ---
"""Pipeline reference for scband-mo-emodel-66202625900932 (READ-ONLY COPY).

The authoritative reference and input builder live on the scoring server;
editing this copy changes nothing except your own understanding.
"""

import jax, jax.numpy as jnp
import numpy as np

E = 8
TOPK = 2
IN = 1024
RH = 512
H1 = 1024
H2 = 512
NC = 256
N = 2048


def _xavier(k, shape):
    fan_in, fan_out = shape[-2], shape[-1]
    lim = float(np.sqrt(6.0 / (fan_in + fan_out)))
    return jax.random.uniform(k, shape, jnp.float32, -lim, lim)


def setup_inputs(seed: int = 0) -> dict:
    key = jax.random.key(seed)
    ks = jax.random.split(key, 12)
    x = jax.random.normal(ks[0], (N, IN), dtype=jnp.float32)
    # Router params (xavier_uniform weights, zero biases, per torch init)
    Wr1 = _xavier(ks[1], (IN, RH)); br1 = jnp.zeros((RH,), jnp.float32)
    Wr2 = _xavier(ks[2], (RH, RH // 2)); br2 = jnp.zeros((RH // 2,), jnp.float32)
    Wr3 = _xavier(ks[3], (RH // 2, E)); br3 = jnp.zeros((E,), jnp.float32)
    # Expert (ESCModel) params: MLP in_dim -> 1024 -> 512 -> num_classes, stacked over E
    We1 = _xavier(ks[4], (E, IN, H1)); be1 = jnp.zeros((E, H1), jnp.float32)
    We2 = _xavier(ks[5], (E, H1, H2)); be2 = jnp.zeros((E, H2), jnp.float32)
    We3 = _xavier(ks[6], (E, H2, NC)); be3 = jnp.zeros((E, NC), jnp.float32)
    return {"x": x, "Wr1": Wr1, "br1": br1, "Wr2": Wr2, "br2": br2,
            "Wr3": Wr3, "br3": br3, "We1": We1, "be1": be1,
            "We2": We2, "be2": be2, "We3": We3, "be3": be3}


def reference(x, Wr1, br1, Wr2, br2, Wr3, br3, We1, be1, We2, be2, We3, be3):
    # Router (dropout inactive in eval)
    h = jax.nn.relu(x @ Wr1 + br1)
    h = jax.nn.relu(h @ Wr2 + br2)
    router_scores = h @ Wr3 + br3
    router_probs = jax.nn.softmax(router_scores, axis=1)
    topk_vals, topk_idx = jax.lax.top_k(router_probs, TOPK)  # [N, K]
    # Expert MLPs evaluated for all experts, then gather per-token top-k
    h1 = jax.nn.relu(jnp.einsum('ni,eio->eno', x, We1) + be1[:, None, :])
    h2 = jax.nn.relu(jnp.einsum('eno,eoh->enh', h1, We2) + be2[:, None, :])
    eo = jnp.einsum('enh,ehc->enc', h2, We3) + be3[:, None, :]  # [E, N, NC]
    sel = eo[topk_idx, jnp.arange(N)[:, None], :]  # [N, K, NC]
    outputs = jnp.sum(topk_vals[:, :, None] * sel, axis=1) / TOPK
    return outputs, router_probs

if __name__ == "__main__":
    import jax
    _d = setup_inputs()
    print(jax.jit(kernel)(*tuple(_d.values())))

</pallas_src>

<mosaic_0001>
#map = affine_map<(d0, d1) -> (0)>
#map1 = affine_map<(d0, d1) -> (0, 0)>
module attributes {stable_mosaic.version = 14 : i64} {
  func.func @_gout_sc_body(%arg0: i32, %arg1: i32, %arg2: memref<2048xi32, #tpu.memory_space<hbm>>, %arg3: memref<2048xi32, #tpu.memory_space<hbm>>, %arg4: memref<6144x256xf32, #tpu.memory_space<hbm>>, %arg5: memref<2048x256xf32, #tpu.memory_space<hbm>>, %arg6: memref<2048x256xf32, #tpu.memory_space<hbm>>, %arg7: memref<64xi32, #tpu.memory_space<vmem>>, %arg8: memref<64xi32, #tpu.memory_space<vmem>>, %arg9: memref<64x256xf32, #tpu.memory_space<vmem>>, %arg10: memref<64x256xf32, #tpu.memory_space<vmem>>, %arg11: memref<!tpu.dma_semaphore, #tpu.memory_space<semaphore_mem>>, %arg12: memref<!tpu.dma_semaphore, #tpu.memory_space<semaphore_mem>>, %arg13: memref<!tpu.dma_semaphore, #tpu.memory_space<semaphore_mem>>, %arg14: memref<!tpu.dma_semaphore, #tpu.memory_space<semaphore_mem>>) attributes {dimension_semantics = [#tpu.dimension_semantics<core_parallel>, #tpu.dimension_semantics<subcore_parallel>], iteration_bounds = array<i64: 2, 16>, scalar_prefetch = 0 : i64, scratch_operands = 8 : i64, tpu.core_type = #tpu.core_type<sc_vector_subcore>, window_params = [{transform_indices = #map}, {transform_indices = #map}, {transform_indices = #map1}, {transform_indices = #map1}, {transform_indices = #map1}]} {
    %mul3A = arith.constant 2 : i32
    %mul3A_0 = arith.muli %arg1, %mul3A : i32
    %add3A = arith.addi %mul3A_0, %arg0 : i32
    %mul3A_1 = arith.constant 64 : i32
    %mul3A_2 = arith.muli %add3A, %mul3A_1 : i32
    "tpu.region"() ({
      %run_scoped3A = tpu.sem_alloc : memref<!tpu.dma_semaphore, #tpu.memory_space<semaphore_mem>>
      %dma_start3A_29 = tpu.memref_slice %arg2[%mul3A_2] : memref<2048xi32, #tpu.memory_space<hbm>> -> memref<64xi32, #tpu.memory_space<hbm>>
      %dma_start3A_30 = tpu.memref_slice %arg2[%mul3A_2] : memref<2048xi32, #tpu.memory_space<hbm>> -> memref<64xi32, #tpu.memory_space<hbm>>
      tpu.enqueue_dma source(%dma_start3A_30 : memref<64xi32, #tpu.memory_space<hbm>>) target(%arg7 : memref<64xi32, #tpu.memory_space<vmem>>) target_semaphore(%run_scoped3A : memref<!tpu.dma_semaphore, #tpu.memory_space<semaphore_mem>>)
      %dma_wait3A_31 = tpu.memref_slice %arg2[%mul3A_2] : memref<2048xi32, #tpu.memory_space<hbm>> -> memref<64xi32, #tpu.memory_space<hbm>>
      %dma_wait3A_32 = tpu.memref_slice %arg2[%mul3A_2] : memref<2048xi32, #tpu.memory_space<hbm>> -> memref<64xi32, #tpu.memory_space<hbm>>
      tpu.wait_dma2 semaphore(%run_scoped3A : memref<!tpu.dma_semaphore, #tpu.memory_space<semaphore_mem>>) src(%dma_wait3A_32 : memref<64xi32, #tpu.memory_space<hbm>>) dst(%arg7 : memref<64xi32, #tpu.memory_space<vmem>>)
      tpu.yield
    }) : () -> ()
    "tpu.region"() ({
      %run_scoped3A = tpu.sem_alloc : memref<!tpu.dma_semaphore, #tpu.memory_space<semaphore_mem>>
      %dma_start3A_29 = tpu.memref_slice %arg3[%mul3A_2] : memref<2048xi32, #tpu.memory_space<hbm>> -> memref<64xi32, #tpu.memory_space<hbm>>
      %dma_start3A_30 = tpu.memref_slice %arg3[%mul3A_2] : memref<2048xi32, #tpu.memory_space<hbm>> -> memref<64xi32, #tpu.memory_space<hbm>>
      tpu.enqueue_dma source(%dma_start3A_30 : memref<64xi32, #tpu.memory_space<hbm>>) target(%arg8 : memref<64xi32, #tpu.memory_space<vmem>>) target_semaphore(%run_scoped3A : memref<!tpu.dma_semaphore, #tpu.memory_space<semaphore_mem>>)
      %dma_wait3A_31 = tpu.memref_slice %arg3[%mul3A_2] : memref<2048xi32, #tpu.memory_space<hbm>> -> memref<64xi32, #tpu.memory_space<hbm>>
      %dma_wait3A_32 = tpu.memref_slice %arg3[%mul3A_2] : memref<2048xi32, #tpu.memory_space<hbm>> -> memref<64xi32, #tpu.memory_space<hbm>>
      tpu.wait_dma2 semaphore(%run_scoped3A : memref<!tpu.dma_semaphore, #tpu.memory_space<semaphore_mem>>) src(%dma_wait3A_32 : memref<64xi32, #tpu.memory_space<hbm>>) dst(%arg8 : memref<64xi32, #tpu.memory_space<vmem>>)
      tpu.yield
    }) : () -> ()
    %dma_start3A = arith.constant 0 : i32
    %dma_start3A_3 = arith.constant 0 : i32
    %dma_start3A_4 = tpu.memref_slice %arg4[%dma_start3A, %dma_start3A_3] : memref<6144x256xf32, #tpu.memory_space<hbm>> -> memref<6144x256xf32, #tpu.memory_space<hbm>>
    tpu.enqueue_indirect_dma source(%dma_start3A_4 : memref<6144x256xf32, #tpu.memory_space<hbm>>) target(%arg9 : memref<64x256xf32, #tpu.memory_space<vmem>>) offsets(%arg7 : memref<64xi32, #tpu.memory_space<vmem>>) semaphore(%arg11 : memref<!tpu.dma_semaphore, #tpu.memory_space<semaphore_mem>>)
    %dma_start3A_5 = arith.constant 0 : i32
    %dma_start3A_6 = arith.constant 0 : i32
    %dma_start3A_7 = tpu.memref_slice %arg4[%dma_start3A_5, %dma_start3A_6] : memref<6144x256xf32, #tpu.memory_space<hbm>> -> memref<6144x256xf32, #tpu.memory_space<hbm>>
    tpu.enqueue_indirect_dma source(%dma_start3A_7 : memref<6144x256xf32, #tpu.memory_space<hbm>>) target(%arg10 : memref<64x256xf32, #tpu.memory_space<vmem>>) offsets(%arg8 : memref<64xi32, #tpu.memory_space<vmem>>) semaphore(%arg12 : memref<!tpu.dma_semaphore, #tpu.memory_space<semaphore_mem>>)
    %dma_wait3A = arith.constant 0 : i32
    %dma_wait3A_8 = arith.constant 0 : i32
    %dma_wait3A_9 = tpu.memref_slice %arg4[%dma_wait3A, %dma_wait3A_8] : memref<6144x256xf32, #tpu.memory_space<hbm>> -> memref<6144x256xf32, #tpu.memory_space<hbm>>
    tpu.wait_indirect_dma semaphore(%arg11 : memref<!tpu.dma_semaphore, #tpu.memory_space<semaphore_mem>>) src(%dma_wait3A_9 : memref<6144x256xf32, #tpu.memory_space<hbm>>) dst(%arg9 : memref<64x256xf32, #tpu.memory_space<vmem>>)
    %dma_start3A_10 = arith.constant 0 : i32
    %dma_start3A_11 = tpu.memref_slice %arg5[%mul3A_2, %dma_start3A_10] : memref<2048x256xf32, #tpu.memory_space<hbm>> -> memref<64x256xf32, #tpu.memory_space<hbm>>
    %dma_start3A_12 = arith.constant 0 : i32
    %dma_start3A_13 = tpu.memref_slice %arg5[%mul3A_2, %dma_start3A_12] : memref<2048x256xf32, #tpu.memory_space<hbm>> -> memref<64x256xf32, #tpu.memory_space<hbm>>
    tpu.enqueue_dma source(%arg9 : memref<64x256xf32, #tpu.memory_space<vmem>>) target(%dma_start3A_13 : memref<64x256xf32, #tpu.memory_space<hbm>>) target_semaphore(%arg13 : memref<!tpu.dma_semaphore, #tpu.memory_space<semaphore_mem>>)
    %dma_wait3A_14 = arith.constant 0 : i32
    %dma_wait3A_15 = arith.constant 0 : i32
    %dma_wait3A_16 = tpu.memref_slice %arg4[%dma_wait3A_14, %dma_wait3A_15] : memref<6144x256xf32, #tpu.memory_space<hbm>> -> memref<6144x256xf32, #tpu.memory_space<hbm>>
    tpu.wait_indirect_dma semaphore(%arg12 : memref<!tpu.dma_semaphore, #tpu.memory_space<semaphore_mem>>) src(%dma_wait3A_16 : memref<6144x256xf32, #tpu.memory_space<hbm>>) dst(%arg10 : memref<64x256xf32, #tpu.memory_space<vmem>>)
    %dma_start3A_17 = arith.constant 0 : i32
    %dma_start3A_18 = tpu.memref_slice %arg6[%mul3A_2, %dma_start3A_17] : memref<2048x256xf32, #tpu.memory_space<hbm>> -> memref<64x256xf32, #tpu.memory_space<hbm>>
    %dma_start3A_19 = arith.constant 0 : i32
    %dma_start3A_20 = tpu.memref_slice %arg6[%mul3A_2, %dma_start3A_19] : memref<2048x256xf32, #tpu.memory_space<hbm>> -> memref<64x256xf32, #tpu.memory_space<hbm>>
    tpu.enqueue_dma source(%arg10 : memref<64x256xf32, #tpu.memory_space<vmem>>) target(%dma_start3A_20 : memref<64x256xf32, #tpu.memory_space<hbm>>) target_semaphore(%arg14 : memref<!tpu.dma_semaphore, #tpu.memory_space<semaphore_mem>>)
    %dma_wait3A_21 = arith.constant 0 : i32
    %dma_wait3A_22 = tpu.memref_slice %arg5[%mul3A_2, %dma_wait3A_21] : memref<2048x256xf32, #tpu.memory_space<hbm>> -> memref<64x256xf32, #tpu.memory_space<hbm>>
    %dma_wait3A_23 = arith.constant 0 : i32
    %dma_wait3A_24 = tpu.memref_slice %arg5[%mul3A_2, %dma_wait3A_23] : memref<2048x256xf32, #tpu.memory_space<hbm>> -> memref<64x256xf32, #tpu.memory_space<hbm>>
    tpu.wait_dma2 semaphore(%arg13 : memref<!tpu.dma_semaphore, #tpu.memory_space<semaphore_mem>>) src(%arg9 : memref<64x256xf32, #tpu.memory_space<vmem>>) dst(%dma_wait3A_24 : memref<64x256xf32, #tpu.memory_space<hbm>>)
    %dma_wait3A_25 = arith.constant 0 : i32
    %dma_wait3A_26 = tpu.memref_slice %arg6[%mul3A_2, %dma_wait3A_25] : memref<2048x256xf32, #tpu.memory_space<hbm>> -> memref<64x256xf32, #tpu.memory_space<hbm>>
    %dma_wait3A_27 = arith.constant 0 : i32
    %dma_wait3A_28 = tpu.memref_slice %arg6[%mul3A_2, %dma_wait3A_27] : memref<2048x256xf32, #tpu.memory_space<hbm>> -> memref<64x256xf32, #tpu.memory_space<hbm>>
    tpu.wait_dma2 semaphore(%arg14 : memref<!tpu.dma_semaphore, #tpu.memory_space<semaphore_mem>>) src(%arg10 : memref<64x256xf32, #tpu.memory_space<vmem>>) dst(%dma_wait3A_28 : memref<64x256xf32, #tpu.memory_space<hbm>>)
    return
  }
}

#map = affine_map<(d0, d1) -> (0, 0)>
#map1 = affine_map<(d0, d1) -> (0)>
module attributes {stable_mosaic.version = 14 : i64} {
  func.func @_scatter_sc_body(%arg0: i32, %arg1: i32, %arg2: memref<8x2048xf32, #tpu.memory_space<hbm>>, %arg3: memref<2048x1024xf32, #tpu.memory_space<hbm>>, %arg4: memref<6144x1024xf32, #tpu.memory_space<hbm>>, %arg5: memref<2048xi32, #tpu.memory_space<hbm>>, %arg6: memref<2048xi32, #tpu.memory_space<hbm>>, %arg7: memref<8x128xf32, #tpu.memory_space<vmem>>, %arg8: memref<64xi32, #tpu.memory_space<vmem>>, %arg9: memref<64xi32, #tpu.memory_space<vmem>>, %arg10: memref<64x1024xf32, #tpu.memory_space<vmem>>, %arg11: memref<!tpu.dma_semaphore, #tpu.memory_space<semaphore_mem>>, %arg12: memref<!tpu.dma_semaphore, #tpu.memory_space<semaphore_mem>>) attributes {dimension_semantics = [#tpu.dimension_semantics<core_parallel>, #tpu.dimension_semantics<subcore_parallel>], iteration_bounds = array<i64: 2, 16>, scalar_prefetch = 0 : i64, scratch_operands = 6 : i64, tpu.core_type = #tpu.core_type<sc_vector_subcore>, window_params = [{transform_indices = #map}, {transform_indices = #map}, {transform_indices = #map}, {transform_indices = #map1}, {transform_indices = #map1}]} {
    %mul3A = arith.constant 2 : i32
    %mul3A_0 = arith.muli %arg1, %mul3A : i32
    %add3A = arith.addi %mul3A_0, %arg0 : i32
    %jit3A = arith.constant 2 : i32
    %div3A = arith.divsi %add3A, %jit3A : i32
    %sign3A = arith.constant 0 : i32
    %sign3A_1 = arith.cmpi sgt, %add3A, %sign3A : i32
    %sign3A_2 = arith.extui %sign3A_1 : i1 to i32
    %sign3A_3 = arith.constant 0 : i32
    %sign3A_4 = arith.cmpi slt, %add3A, %sign3A_3 : i32
    %sign3A_5 = arith.extui %sign3A_4 : i1 to i32
    %sign3A_6 = arith.subi %sign3A_2, %sign3A_5 : i32
    %sign3A_7 = arith.constant 0 : i32
    %sign3A_8 = arith.cmpi sgt, %jit3A, %sign3A_7 : i32
    %sign3A_9 = arith.extui %sign3A_8 : i1 to i32
    %sign3A_10 = arith.constant 0 : i32
    %sign3A_11 = arith.cmpi slt, %jit3A, %sign3A_10 : i32
    %sign3A_12 = arith.extui %sign3A_11 : i1 to i32
    %sign3A_13 = arith.subi %sign3A_9, %sign3A_12 : i32
    %ne3A = arith.cmpi ne, %sign3A_6, %sign3A_13 : i32
    %rem3A = arith.remsi %add3A, %jit3A : i32
    %ne3A_14 = arith.constant 0 : i32
    %ne3A_15 = arith.cmpi ne, %rem3A, %ne3A_14 : i32
    %and3A = arith.andi %ne3A, %ne3A_15 : i1
    %sub3A = arith.constant 1 : i32
    %sub3A_16 = arith.subi %div3A, %sub3A : i32
    %select_n3A = arith.select %and3A, %sub3A_16, %div3A : i32
    %jit3A_17 = arith.constant 2 : i32
    %eq3A = arith.constant 0 : i32
    %eq3A_18 = arith.cmpi eq, %jit3A_17, %eq3A : i32
    %jit3A_19 = arith.constant 1 : i32
    %select_n3A_20 = arith.select %eq3A_18, %jit3A_19, %jit3A_17 : i32
    %rem3A_21 = arith.remsi %add3A, %select_n3A_20 : i32
    %ne3A_22 = arith.constant 0 : i32
    %ne3A_23 = arith.cmpi ne, %rem3A_21, %ne3A_22 : i32
    %lt3A = arith.constant 0 : i32
    %lt3A_24 = arith.cmpi slt, %rem3A_21, %lt3A : i32
    %lt3A_25 = arith.constant 0 : i32
    %lt3A_26 = arith.cmpi slt, %select_n3A_20, %lt3A_25 : i32
    %ne3A_27 = arith.xori %lt3A_24, %lt3A_26 : i1
    %and3A_28 = arith.andi %ne3A_27, %ne3A_23 : i1
    %add3A_29 = arith.addi %rem3A_21, %select_n3A_20 : i32
    %select_n3A_30 = arith.select %and3A_28, %add3A_29, %rem3A_21 : i32
    %mul3A_31 = arith.constant 64 : i32
    %mul3A_32 = arith.muli %mul3A_31, %add3A : i32
    %dma_start3A = arith.constant 0 : i32
    %dma_start3A_33 = tpu.memref_slice %arg3[%mul3A_32, %dma_start3A] : memref<2048x1024xf32, #tpu.memory_space<hbm>> -> memref<64x1024xf32, #tpu.memory_space<hbm>>
    %dma_start3A_34 = arith.constant 0 : i32
    %dma_start3A_35 = tpu.memref_slice %arg3[%mul3A_32, %dma_start3A_34] : memref<2048x1024xf32, #tpu.memory_space<hbm>> -> memref<64x1024xf32, #tpu.memory_space<hbm>>
    tpu.enqueue_dma source(%dma_start3A_35 : memref<64x1024xf32, #tpu.memory_space<hbm>>) target(%arg10 : memref<64x1024xf32, #tpu.memory_space<vmem>>) target_semaphore(%arg11 : memref<!tpu.dma_semaphore, #tpu.memory_space<semaphore_mem>>)
    %mul3A_36 = arith.constant 128 : i32
    %mul3A_37 = arith.muli %select_n3A, %mul3A_36 : i32
    "tpu.region"() ({
      %run_scoped3A = tpu.sem_alloc : memref<!tpu.dma_semaphore, #tpu.memory_space<semaphore_mem>>
      %dma_start3A_150 = arith.constant 0 : i32
      %dma_start3A_151 = tpu.memref_slice %arg2[%dma_start3A_150, %mul3A_37] : memref<8x2048xf32, #tpu.memory_space<hbm>> -> memref<8x128xf32, #tpu.memory_space<hbm>>
      %dma_start3A_152 = arith.constant 0 : i32
      %dma_start3A_153 = tpu.memref_slice %arg2[%dma_start3A_152, %mul3A_37] : memref<8x2048xf32, #tpu.memory_space<hbm>> -> memref<8x128xf32, #tpu.memory_space<hbm>>
      tpu.enqueue_dma source(%dma_start3A_153 : memref<8x128xf32, #tpu.memory_space<hbm>>) target(%arg7 : memref<8x128xf32, #tpu.memory_space<vmem>>) target_semaphore(%run_scoped3A : memref<!tpu.dma_semaphore, #tpu.memory_space<semaphore_mem>>)
      %dma_wait3A_154 = arith.constant 0 : i32
      %dma_wait3A_155 = tpu.memref_slice %arg2[%dma_wait3A_154, %mul3A_37] : memref<8x2048xf32, #tpu.memory_space<hbm>> -> memref<8x128xf32, #tpu.memory_space<hbm>>
      %dma_wait3A_156 = arith.constant 0 : i32
      %dma_wait3A_157 = tpu.memref_slice %arg2[%dma_wait3A_156, %mul3A_37] : memref<8x2048xf32, #tpu.memory_space<hbm>> -> memref<8x128xf32, #tpu.memory_space<hbm>>
      tpu.wait_dma2 semaphore(%run_scoped3A : memref<!tpu.dma_semaphore, #tpu.memory_space<semaphore_mem>>) src(%dma_wait3A_157 : memref<8x128xf32, #tpu.memory_space<hbm>>) dst(%arg7 : memref<8x128xf32, #tpu.memory_space<vmem>>)
      tpu.yield
    }) : () -> ()
    %mul3A_38 = arith.constant 64 : i32
    %mul3A_39 = arith.muli %select_n3A_30, %mul3A_38 : i32
    %add3A_40 = arith.constant 0 : i32
    %add3A_41 = arith.addi %mul3A_39, %add3A_40 : i32
    %get3A = arith.constant 0 : i32
    %get3A_42 = arith.index_cast %get3A : i32 to index
    %get3A_43 = arith.index_cast %add3A_41 : i32 to index
    %get3A_44 = tpu.vector_load %arg7[%get3A_42, %get3A_43] {strides = array<i32>} : memref<8x128xf32, #tpu.memory_space<vmem>>, vector<16xf32>,
    %convert_element_type3A = arith.fptosi %get3A_44 : vector<16xf32> to vector<16xi32>
    %swap3A = arith.constant 0 : index
    %swap3A_45 = tpu.vector_load %arg8[%swap3A] {strides = array<i32>} : memref<64xi32, #tpu.memory_space<vmem>>, vector<16xi32>,
    tpu.vector_store %arg8[%swap3A], %convert_element_type3A {strides = array<i32>} : memref<64xi32, #tpu.memory_space<vmem>>, vector<16xi32>,
    %mul3A_46 = arith.constant 64 : i32
    %mul3A_47 = arith.muli %select_n3A_30, %mul3A_46 : i32
    %add3A_48 = arith.constant 0 : i32
    %add3A_49 = arith.addi %mul3A_47, %add3A_48 : i32
    %get3A_50 = arith.constant 1 : i32
    %get3A_51 = arith.index_cast %get3A_50 : i32 to index
    %get3A_52 = arith.index_cast %add3A_49 : i32 to index
    %get3A_53 = tpu.vector_load %arg7[%get3A_51, %get3A_52] {strides = array<i32>} : memref<8x128xf32, #tpu.memory_space<vmem>>, vector<16xf32>,
    %convert_element_type3A_54 = arith.fptosi %get3A_53 : vector<16xf32> to vector<16xi32>
    %swap3A_55 = arith.constant 0 : index
    %swap3A_56 = tpu.vector_load %arg9[%swap3A_55] {strides = array<i32>} : memref<64xi32, #tpu.memory_space<vmem>>, vector<16xi32>,
    tpu.vector_store %arg9[%swap3A_55], %convert_element_type3A_54 {strides = array<i32>} : memref<64xi32, #tpu.memory_space<vmem>>, vector<16xi32>,
    %mul3A_57 = arith.constant 64 : i32
    %mul3A_58 = arith.muli %select_n3A_30, %mul3A_57 : i32
    %add3A_59 = arith.constant 16 : i32
    %add3A_60 = arith.addi %mul3A_58, %add3A_59 : i32
    %get3A_61 = arith.constant 0 : i32
    %get3A_62 = arith.index_cast %get3A_61 : i32 to index
    %get3A_63 = arith.index_cast %add3A_60 : i32 to index
    %get3A_64 = tpu.vector_load %arg7[%get3A_62, %get3A_63] {strides = array<i32>} : memref<8x128xf32, #tpu.memory_space<vmem>>, vector<16xf32>,
    %convert_element_type3A_65 = arith.fptosi %get3A_64 : vector<16xf32> to vector<16xi32>
    %swap3A_66 = arith.constant 16 : index
    %swap3A_67 = tpu.vector_load %arg8[%swap3A_66] {strides = array<i32>} : memref<64xi32, #tpu.memory_space<vmem>>, vector<16xi32>,
    tpu.vector_store %arg8[%swap3A_66], %convert_element_type3A_65 {strides = array<i32>} : memref<64xi32, #tpu.memory_space<vmem>>, vector<16xi32>,
    %mul3A_68 = arith.constant 64 : i32
    %mul3A_69 = arith.muli %select_n3A_30, %mul3A_68 : i32
    %add3A_70 = arith.constant 16 : i32
    %add3A_71 = arith.addi %mul3A_69, %add3A_70 : i32
    %get3A_72 = arith.constant 1 : i32
    %get3A_73 = arith.index_cast %get3A_72 : i32 to index
    %get3A_74 = arith.index_cast %add3A_71 : i32 to index
    %get3A_75 = tpu.vector_load %arg7[%get3A_73, %get3A_74] {strides = array<i32>} : memref<8x128xf32, #tpu.memory_space<vmem>>, vector<16xf32>,
    %convert_element_type3A_76 = arith.fptosi %get3A_75 : vector<16xf32> to vector<16xi32>
    %swap3A_77 = arith.constant 16 : index
    %swap3A_78 = tpu.vector_load %arg9[%swap3A_77] {strides = array<i32>} : memref<64xi32, #tpu.memory_space<vmem>>, vector<16xi32>,
    tpu.vector_store %arg9[%swap3A_77], %convert_element_type3A_76 {strides = array<i32>} : memref<64xi32, #tpu.memory_space<vmem>>, vector<16xi32>,
    %mul3A_79 = arith.constant 64 : i32
    %mul3A_80 = arith.muli %select_n3A_30, %mul3A_79 : i32
    %add3A_81 = arith.constant 32 : i32
    %add3A_82 = arith.addi %mul3A_80, %add3A_81 : i32
    %get3A_83 = arith.constant 0 : i32
    %get3A_84 = arith.index_cast %get3A_83 : i32 to index
    %get3A_85 = arith.index_cast %add3A_82 : i32 to index
    %get3A_86 = tpu.vector_load %arg7[%get3A_84, %get3A_85] {strides = array<i32>} : memref<8x128xf32, #tpu.memory_space<vmem>>, vector<16xf32>,
    %convert_element_type3A_87 = arith.fptosi %get3A_86 : vector<16xf32> to vector<16xi32>
    %swap3A_88 = arith.constant 32 : index
    %swap3A_89 = tpu.vector_load %arg8[%swap3A_88] {strides = array<i32>} : memref<64xi32, #tpu.memory_space<vmem>>, vector<16xi32>,
    tpu.vector_store %arg8[%swap3A_88], %convert_element_type3A_87 {strides = array<i32>} : memref<64xi32, #tpu.memory_space<vmem>>, vector<16xi32>,
    %mul3A_90 = arith.constant 64 : i32
    %mul3A_91 = arith.muli %select_n3A_30, %mul3A_90 : i32
    %add3A_92 = arith.constant 32 : i32
    %add3A_93 = arith.addi %mul3A_91, %add3A_92 : i32
    %get3A_94 = arith.constant 1 : i32
    %get3A_95 = arith.index_cast %get3A_94 : i32 to index
    %get3A_96 = arith.index_cast %add3A_93 : i32 to index
    %get3A_97 = tpu.vector_load %arg7[%get3A_95, %get3A_96] {strides = array<i32>} : memref<8x128xf32, #tpu.memory_space<vmem>>, vector<16xf32>,
    %convert_element_type3A_98 = arith.fptosi %get3A_97 : vector<16xf32> to vector<16xi32>
    %swap3A_99 = arith.constant 32 : index
    %swap3A_100 = tpu.vector_load %arg9[%swap3A_99] {strides = array<i32>} : memref<64xi32, #tpu.memory_space<vmem>>, vector<16xi32>,
    tpu.vector_store %arg9[%swap3A_99], %convert_element_type3A_98 {strides = array<i32>} : memref<64xi32, #tpu.memory_space<vmem>>, vector<16xi32>,
    %mul3A_101 = arith.constant 64 : i32
    %mul3A_102 = arith.muli %select_n3A_30, %mul3A_101 : i32
    %add3A_103 = arith.constant 48 : i32
    %add3A_104 = arith.addi %mul3A_102, %add3A_103 : i32
    %get3A_105 = arith.constant 0 : i32
    %get3A_106 = arith.index_cast %get3A_105 : i32 to index
    %get3A_107 = arith.index_cast %add3A_104 : i32 to index
    %get3A_108 = tpu.vector_load %arg7[%get3A_106, %get3A_107] {strides = array<i32>} : memref<8x128xf32, #tpu.memory_space<vmem>>, vector<16xf32>,
    %convert_element_type3A_109 = arith.fptosi %get3A_108 : vector<16xf32> to vector<16xi32>
    %swap3A_110 = arith.constant 48 : index
    %swap3A_111 = tpu.vector_load %arg8[%swap3A_110] {strides = array<i32>} : memref<64xi32, #tpu.memory_space<vmem>>, vector<16xi32>,
    tpu.vector_store %arg8[%swap3A_110], %convert_element_type3A_109 {strides = array<i32>} : memref<64xi32, #tpu.memory_space<vmem>>, vector<16xi32>,
    %mul3A_112 = arith.constant 64 : i32
    %mul3A_113 = arith.muli %select_n3A_30, %mul3A_112 : i32
    %add3A_114 = arith.constant 48 : i32
    %add3A_115 = arith.addi %mul3A_113, %add3A_114 : i32
    %get3A_116 = arith.constant 1 : i32
    %get3A_117 = arith.index_cast %get3A_116 : i32 to index
    %get3A_118 = arith.index_cast %add3A_115 : i32 to index
    %get3A_119 = tpu.vector_load %arg7[%get3A_117, %get3A_118] {strides = array<i32>} : memref<8x128xf32, #tpu.memory_space<vmem>>, vector<16xf32>,
    %convert_element_type3A_120 = arith.fptosi %get3A_119 : vector<16xf32> to vector<16xi32>
    %swap3A_121 = arith.constant 48 : index
    %swap3A_122 = tpu.vector_load %arg9[%swap3A_121] {strides = array<i32>} : memref<64xi32, #tpu.memory_space<vmem>>, vector<16xi32>,
    tpu.vector_store %arg9[%swap3A_121], %convert_element_type3A_120 {strides = array<i32>} : memref<64xi32, #tpu.memory_space<vmem>>, vector<16xi32>,
    %mul3A_123 = arith.constant 64 : i32
    %mul3A_124 = arith.muli %mul3A_123, %add3A : i32
    %dma_start3A_125 = tpu.memref_slice %arg5[%mul3A_124] : memref<2048xi32, #tpu.memory_space<hbm>> -> memref<64xi32, #tpu.memory_space<hbm>>
    %dma_start3A_126 = tpu.memref_slice %arg5[%mul3A_124] : memref<2048xi32, #tpu.memory_space<hbm>> -> memref<64xi32, #tpu.memory_space<hbm>>
    tpu.enqueue_dma source(%arg8 : memref<64xi32, #tpu.memory_space<vmem>>) target(%dma_start3A_126 : memref<64xi32, #tpu.memory_space<hbm>>) target_semaphore(%arg12 : memref<!tpu.dma_semaphore, #tpu.memory_space<semaphore_mem>>)
    %dma_wait3A = arith.constant 0 : i32
    %dma_wait3A_127 = tpu.memref_slice %arg3[%mul3A_32, %dma_wait3A] : memref<2048x1024xf32, #tpu.memory_space<hbm>> -> memref<64x1024xf32, #tpu.memory_space<hbm>>
    %dma_wait3A_128 = arith.constant 0 : i32
    %dma_wait3A_129 = tpu.memref_slice %arg3[%mul3A_32, %dma_wait3A_128] : memref<2048x1024xf32, #tpu.memory_space<hbm>> -> memref<64x1024xf32, #tpu.memory_space<hbm>>
    tpu.wait_dma2 semaphore(%arg11 : memref<!tpu.dma_semaphore, #tpu.memory_space<semaphore_mem>>) src(%dma_wait3A_129 : memref<64x1024xf32, #tpu.memory_space<hbm>>) dst(%arg10 : memref<64x1024xf32, #tpu.memory_space<vmem>>)
    %dma_start3A_130 = arith.constant 0 : i32
    %dma_start3A_131 = arith.constant 0 : i32
    %dma_start3A_132 = tpu.memref_slice %arg4[%dma_start3A_130, %dma_start3A_131] : memref<6144x1024xf32, #tpu.memory_space<hbm>> -> memref<6144x1024xf32, #tpu.memory_space<hbm>>
    tpu.enqueue_indirect_dma source(%arg10 : memref<64x1024xf32, #tpu.memory_space<vmem>>) target(%dma_start3A_132 : memref<6144x1024xf32, #tpu.memory_space<hbm>>) offsets(%arg8 : memref<64xi32, #tpu.memory_space<vmem>>) semaphore(%arg11 : memref<!tpu.dma_semaphore, #tpu.memory_space<semaphore_mem>>)
    %dma_wait3A_133 = tpu.memref_slice %arg5[%mul3A_124] : memref<2048xi32, #tpu.memory_space<hbm>> -> memref<64xi32, #tpu.memory_space<hbm>>
    %dma_wait3A_134 = tpu.memref_slice %arg5[%mul3A_124] : memref<2048xi32, #tpu.memory_space<hbm>> -> memref<64xi32, #tpu.memory_space<hbm>>
    tpu.wait_dma2 semaphore(%arg12 : memref<!tpu.dma_semaphore, #tpu.memory_space<semaphore_mem>>) src(%arg8 : memref<64xi32, #tpu.memory_space<vmem>>) dst(%dma_wait3A_134 : memref<64xi32, #tpu.memory_space<hbm>>)
    %mul3A_135 = arith.constant 64 : i32
    %mul3A_136 = arith.muli %mul3A_135, %add3A : i32
    %dma_start3A_137 = tpu.memref_slice %arg6[%mul3A_136] : memref<2048xi32, #tpu.memory_space<hbm>> -> memref<64xi32, #tpu.memory_space<hbm>>
    %dma_start3A_138 = tpu.memref_slice %arg6[%mul3A_136] : memref<2048xi32, #tpu.memory_space<hbm>> -> memref<64xi32, #tpu.memory_space<hbm>>
    tpu.enqueue_dma source(%arg9 : memref<64xi32, #tpu.memory_space<vmem>>) target(%dma_start3A_138 : memref<64xi32, #tpu.memory_space<hbm>>) target_semaphore(%arg12 : memref<!tpu.dma_semaphore, #tpu.memory_space<semaphore_mem>>)
    %dma_wait3A_139 = arith.constant 0 : i32
    %dma_wait3A_140 = arith.constant 0 : i32
    %dma_wait3A_141 = tpu.memref_slice %arg4[%dma_wait3A_139, %dma_wait3A_140] : memref<6144x1024xf32, #tpu.memory_space<hbm>> -> memref<6144x1024xf32, #tpu.memory_space<hbm>>
    tpu.wait_indirect_dma semaphore(%arg11 : memref<!tpu.dma_semaphore, #tpu.memory_space<semaphore_mem>>) src(%arg10 : memref<64x1024xf32, #tpu.memory_space<vmem>>) dst(%dma_wait3A_141 : memref<6144x1024xf32, #tpu.memory_space<hbm>>)
    %dma_start3A_142 = arith.constant 0 : i32
    %dma_start3A_143 = arith.constant 0 : i32
    %dma_start3A_144 = tpu.memref_slice %arg4[%dma_start3A_142, %dma_start3A_143] : memref<6144x1024xf32, #tpu.memory_space<hbm>> -> memref<6144x1024xf32, #tpu.memory_space<hbm>>
    tpu.enqueue_indirect_dma source(%arg10 : memref<64x1024xf32, #tpu.memory_space<vmem>>) target(%dma_start3A_144 : memref<6144x1024xf32, #tpu.memory_space<hbm>>) offsets(%arg9 : memref<64xi32, #tpu.memory_space<vmem>>) semaphore(%arg11 : memref<!tpu.dma_semaphore, #tpu.memory_space<semaphore_mem>>)
    %dma_wait3A_145 = tpu.memref_slice %arg6[%mul3A_136] : memref<2048xi32, #tpu.memory_space<hbm>> -> memref<64xi32, #tpu.memory_space<hbm>>
    %dma_wait3A_146 = tpu.memref_slice %arg6[%mul3A_136] : memref<2048xi32, #tpu.memory_space<hbm>> -> memref<64xi32, #tpu.memory_space<hbm>>
    tpu.wait_dma2 semaphore(%arg12 : memref<!tpu.dma_semaphore, #tpu.memory_space<semaphore_mem>>) src(%arg9 : memref<64xi32, #tpu.memory_space<vmem>>) dst(%dma_wait3A_146 : memref<64xi32, #tpu.memory_space<hbm>>)
    %dma_wait3A_147 = arith.constant 0 : i32
    %dma_wait3A_148 = arith.constant 0 : i32
    %dma_wait3A_149 = tpu.memref_slice %arg4[%dma_wait3A_147, %dma_wait3A_148] : memref<6144x1024xf32, #tpu.memory_space<hbm>> -> memref<6144x1024xf32, #tpu.memory_space<hbm>>
    tpu.wait_indirect_dma semaphore(%arg11 : memref<!tpu.dma_semaphore, #tpu.memory_space<semaphore_mem>>) src(%arg10 : memref<64x1024xf32, #tpu.memory_space<vmem>>) dst(%dma_wait3A_149 : memref<6144x1024xf32, #tpu.memory_space<hbm>>)
    return
  }
}

module attributes {stable_mosaic.version = 14 : i64} {
  func.func @_router_body(%arg0: i32, %arg1: memref<1024x1024xf32, #tpu.memory_space<vmem>>, %arg2: memref<1024x512xf32, #tpu.memory_space<vmem>>, %arg3: memref<1x512xf32, #tpu.memory_space<vmem>>, %arg4: memref<512x256xf32, #tpu.memory_space<vmem>>, %arg5: memref<1x256xf32, #tpu.memory_space<vmem>>, %arg6: memref<256x128xf32, #tpu.memory_space<vmem>>, %arg7: memref<1x128xf32, #tpu.memory_space<vmem>>, %arg8: memref<1024x128xf32, #tpu.memory_space<vmem>>, %arg9: memref<1024x128xf32, #tpu.memory_space<vmem>>, %arg10: memref<8x2048xf32, #tpu.memory_space<vmem>>, %arg11: memref<1x128xf32, #tpu.memory_space<vmem>>, %arg12: memref<8x2048xf32, #tpu.memory_space<vmem>>) attributes {dimension_semantics = [#tpu.dimension_semantics<arbitrary>], iteration_bounds = array<i64: 3>, scalar_prefetch = 0 : i64, scratch_operands = 2 : i64, tpu.core_type = #tpu.core_type<tc>, window_params = [{transform_indices = @transform_0, window_bounds = array<i64: 1024, 1024>}, {pipeline_mode = #tpu.pipeline_mode<synchronous>, transform_indices = @transform_1, window_bounds = array<i64: 1024, 512>}, {pipeline_mode = #tpu.pipeline_mode<synchronous>, transform_indices = @transform_2, window_bounds = array<i64: 1, 512>}, {pipeline_mode = #tpu.pipeline_mode<synchronous>, transform_indices = @transform_3, window_bounds = array<i64: 512, 256>}, {pipeline_mode = #tpu.pipeline_mode<synchronous>, transform_indices = @transform_4, window_bounds = array<i64: 1, 256>}, {pipeline_mode = #tpu.pipeline_mode<synchronous>, transform_indices = @transform_5, window_bounds = array<i64: 256, 128>}, {pipeline_mode = #tpu.pipeline_mode<synchronous>, transform_indices = @transform_6, window_bounds = array<i64: 1, 128>}, {transform_indices = @transform_7, window_bounds = array<i64: 1024, 128>}, {transform_indices = @transform_8, window_bounds = array<i64: 1024, 128>}, {pipeline_mode = #tpu.pipeline_mode<synchronous>, transform_indices = @transform_9, window_bounds = array<i64: 8, 2048>}]} {
    %lt3A = arith.constant 2 : i32
    %lt3A_0 = arith.cmpi slt, %arg0, %lt3A : i32
    %convert_element_type3A = arith.extui %lt3A_0 : i1 to i32
    %cond3A = arith.constant 0 : i32
    %cond3A_1 = arith.cmpi ne, %convert_element_type3A, %cond3A : i32
    scf.if %cond3A_1 {
      %get3A = arith.constant 0 : index
      %get3A_6 = arith.constant 0 : index
      %get3A_7 = vector.load %arg1[%get3A, %get3A_6] : memref<1024x1024xf32, #tpu.memory_space<vmem>>, vector<1024x1024xf32>
      %get3A_8 = arith.constant 0 : index
      %get3A_9 = arith.constant 0 : index
      %get3A_10 = vector.load %arg2[%get3A_8, %get3A_9] : memref<1024x512xf32, #tpu.memory_space<vmem>>, vector<1024x512xf32>
      %dot_general3A = arith.constant dense<0.000000e+00> : vector<1024x512xf32>
      %dot_general3A_11 = tpu.matmul %get3A_7, %get3A_10, %dot_general3A {dimension_numbers = #tpu.dot_dimension_numbers<[1], [0], [0], [1], [0, 0, 1, 1], [], []>, transpose_lhs_hint = false} : vector<1024x1024xf32>, vector<1024x512xf32>, vector<1024x512xf32> -> vector<1024x512xf32>
      %get3A_12 = arith.constant 0 : index
      %get3A_13 = arith.constant 0 : index
      %get3A_14 = vector.load %arg3[%get3A_12, %get3A_13] : memref<1x512xf32, #tpu.memory_space<vmem>>, vector<1x512xf32>
      %add3A = vector.broadcast %get3A_14 : vector<1x512xf32> to vector<1024x512xf32>
      %add3A_15 = arith.addf %dot_general3A_11, %add3A : vector<1024x512xf32>
      %max3A = arith.constant 0.000000e+00 : f32
      %max3A_16 = vector.broadcast %max3A : f32 to vector<1024x512xf32>
      %max3A_17 = arith.maximumf %add3A_15, %max3A_16 : vector<1024x512xf32>
      %get3A_18 = arith.constant 0 : index
      %get3A_19 = arith.constant 0 : index
      %get3A_20 = vector.load %arg4[%get3A_18, %get3A_19] : memref<512x256xf32, #tpu.memory_space<vmem>>, vector<512x256xf32>
      %dot_general3A_21 = arith.constant dense<0.000000e+00> : vector<1024x256xf32>
      %dot_general3A_22 = tpu.matmul %max3A_17, %get3A_20, %dot_general3A_21 {dimension_numbers = #tpu.dot_dimension_numbers<[1], [0], [0], [1], [0, 0, 1, 1], [], []>, transpose_lhs_hint = false} : vector<1024x512xf32>, vector<512x256xf32>, vector<1024x256xf32> -> vector<1024x256xf32>
      %get3A_23 = arith.constant 0 : index
      %get3A_24 = arith.constant 0 : index
      %get3A_25 = vector.load %arg5[%get3A_23, %get3A_24] : memref<1x256xf32, #tpu.memory_space<vmem>>, vector<1x256xf32>
      %add3A_26 = vector.broadcast %get3A_25 : vector<1x256xf32> to vector<1024x256xf32>
      %add3A_27 = arith.addf %dot_general3A_22, %add3A_26 : vector<1024x256xf32>
      %max3A_28 = arith.constant 0.000000e+00 : f32
      %max3A_29 = vector.broadcast %max3A_28 : f32 to vector<1024x256xf32>
      %max3A_30 = arith.maximumf %add3A_27, %max3A_29 : vector<1024x256xf32>
      %get3A_31 = arith.constant 0 : index
      %get3A_32 = arith.constant 0 : index
      %get3A_33 = vector.load %arg6[%get3A_31, %get3A_32] : memref<256x128xf32, #tpu.memory_space<vmem>>, vector<256x128xf32>
      %dot_general3A_34 = arith.constant dense<0.000000e+00> : vector<1024x128xf32>
      %dot_general3A_35 = tpu.matmul %max3A_30, %get3A_33, %dot_general3A_34 {dimension_numbers = #tpu.dot_dimension_numbers<[1], [0], [0], [1], [0, 0, 1, 1], [], []>, transpose_lhs_hint = false} : vector<1024x256xf32>, vector<256x128xf32>, vector<1024x128xf32> -> vector<1024x128xf32>
      %get3A_36 = arith.constant 0 : index
      %get3A_37 = arith.constant 0 : index
      %get3A_38 = vector.load %arg7[%get3A_36, %get3A_37] : memref<1x128xf32, #tpu.memory_space<vmem>>, vector<1x128xf32>
      %add3A_39 = vector.broadcast %get3A_38 : vector<1x128xf32> to vector<1024x128xf32>
      %add3A_40 = arith.addf %dot_general3A_35, %add3A_39 : vector<1024x128xf32>
      %iota3A = tpu.iota {dimensions = array<i32: 1>} : vector<1024x128xi32>
      %lt3A_41 = arith.constant 8 : i32
      %lt3A_42 = vector.broadcast %lt3A_41 : i32 to vector<1024x128xi32>
      %lt3A_43 = arith.cmpi slt, %iota3A, %lt3A_42 : vector<1024x128xi32>
      %jit3A = arith.constant -1.000000e+30 : f32
      %broadcast_in_dim3A = vector.broadcast %jit3A : f32 to vector<1024x128xf32>
      %select_n3A = arith.select %lt3A_43, %add3A_40, %broadcast_in_dim3A : vector<1024x128xi1>, vector<1024x128xf32>
      %reduce_max3A = arith.constant dense<0xFF800000> : vector<1024xf32>
      %reduce_max3A_44 = vector.multi_reduction <maximumf>, %select_n3A, %reduce_max3A [1] : vector<1024x128xf32> to vector<1024xf32>
      %broadcast_in_dim3A_45 = vector.shape_cast %reduce_max3A_44 : vector<1024xf32> to vector<1024x1xf32>
      %sub3A = vector.broadcast %broadcast_in_dim3A_45 : vector<1024x1xf32> to vector<1024x128xf32>
      %sub3A_46 = arith.subf %select_n3A, %sub3A : vector<1024x128xf32>
      %exp3A = math.exp %sub3A_46 : vector<1024x128xf32>
      %reduce_sum3A = arith.constant dense<0.000000e+00> : vector<1024xf32>
      %reduce_sum3A_47 = vector.multi_reduction <add>, %exp3A, %reduce_sum3A [1] : vector<1024x128xf32> to vector<1024xf32>
      %broadcast_in_dim3A_48 = vector.shape_cast %reduce_sum3A_47 : vector<1024xf32> to vector<1024x1xf32>
      %div3A = vector.broadcast %broadcast_in_dim3A_48 : vector<1024x1xf32> to vector<1024x128xf32>
      %div3A_49 = arith.divf %exp3A, %div3A : vector<1024x128xf32>
      %swap3A = arith.constant 0 : index
      %swap3A_50 = arith.constant 0 : index
      %swap3A_51 = vector.load %arg8[%swap3A, %swap3A_50] : memref<1024x128xf32, #tpu.memory_space<vmem>>, vector<1024x128xf32>
      tpu.vector_store %arg8[%swap3A, %swap3A_50], %div3A_49 {strides = array<i32>} : memref<1024x128xf32, #tpu.memory_space<vmem>>, vector<1024x128xf32>,
      %reduce_max3A_52 = arith.constant dense<0xFF800000> : vector<1024xf32>
      %reduce_max3A_53 = vector.multi_reduction <maximumf>, %div3A_49, %reduce_max3A_52 [1] : vector<1024x128xf32> to vector<1024xf32>
      %broadcast_in_dim3A_54 = vector.shape_cast %reduce_max3A_53 : vector<1024xf32> to vector<1024x1xf32>
      %eq3A_55 = vector.broadcast %broadcast_in_dim3A_54 : vector<1024x1xf32> to vector<1024x128xf32>
      %eq3A_56 = arith.cmpf oeq, %div3A_49, %eq3A_55 : vector<1024x128xf32>
      %jit3A_57 = arith.constant 128 : i32
      %broadcast_in_dim3A_58 = vector.broadcast %jit3A_57 : i32 to vector<1024x128xi32>
      %select_n3A_59 = arith.select %eq3A_56, %iota3A, %broadcast_in_dim3A_58 : vector<1024x128xi1>, vector<1024x128xi32>
      %reduce_min3A = arith.constant dense<2147483647> : vector<1024xi32>
      %reduce_min3A_60 = vector.multi_reduction <minsi>, %select_n3A_59, %reduce_min3A [1] : vector<1024x128xi32> to vector<1024xi32>
      %broadcast_in_dim3A_61 = vector.shape_cast %reduce_min3A_60 : vector<1024xi32> to vector<1024x1xi32>
      %eq3A_62 = vector.broadcast %broadcast_in_dim3A_61 : vector<1024x1xi32> to vector<1024x128xi32>
      %eq3A_63 = arith.cmpi eq, %iota3A, %eq3A_62 : vector<1024x128xi32>
      %jit3A_64 = arith.constant -1.000000e+00 : f32
      %broadcast_in_dim3A_65 = vector.broadcast %jit3A_64 : f32 to vector<1024x128xf32>
      %select_n3A_66 = arith.select %eq3A_63, %broadcast_in_dim3A_65, %div3A_49 : vector<1024x128xi1>, vector<1024x128xf32>
      %reduce_max3A_67 = arith.constant dense<0xFF800000> : vector<1024xf32>
      %reduce_max3A_68 = vector.multi_reduction <maximumf>, %select_n3A_66, %reduce_max3A_67 [1] : vector<1024x128xf32> to vector<1024xf32>
      %broadcast_in_dim3A_69 = vector.shape_cast %reduce_max3A_68 : vector<1024xf32> to vector<1024x1xf32>
      %eq3A_70 = vector.broadcast %broadcast_in_dim3A_69 : vector<1024x1xf32> to vector<1024x128xf32>
      %eq3A_71 = arith.cmpf oeq, %select_n3A_66, %eq3A_70 : vector<1024x128xf32>
      %jit3A_72 = arith.constant 128 : i32
      %broadcast_in_dim3A_73 = vector.broadcast %jit3A_72 : i32 to vector<1024x128xi32>
      %select_n3A_74 = arith.select %eq3A_71, %iota3A, %broadcast_in_dim3A_73 : vector<1024x128xi1>, vector<1024x128xi32>
      %reduce_min3A_75 = arith.constant dense<2147483647> : vector<1024xi32>
      %reduce_min3A_76 = vector.multi_reduction <minsi>, %select_n3A_74, %reduce_min3A_75 [1] : vector<1024x128xi32> to vector<1024xi32>
      %broadcast_in_dim3A_77 = vector.shape_cast %reduce_min3A_76 : vector<1024xi32> to vector<1024x1xi32>
      %eq3A_78 = vector.broadcast %broadcast_in_dim3A_61 : vector<1024x1xi32> to vector<1024x128xi32>
      %eq3A_79 = arith.cmpi eq, %iota3A, %eq3A_78 : vector<1024x128xi32>
      %convert_element_type3A_80 = arith.extui %eq3A_79 : vector<1024x128xi1> to vector<1024x128xi32>
      %convert_element_type3A_81 = arith.sitofp %convert_element_type3A_80 : vector<1024x128xi32> to vector<1024x128xf32>
      %eq3A_82 = vector.broadcast %broadcast_in_dim3A_77 : vector<1024x1xi32> to vector<1024x128xi32>
      %eq3A_83 = arith.cmpi eq, %iota3A, %eq3A_82 : vector<1024x128xi32>
      %convert_element_type3A_84 = arith.extui %eq3A_83 : vector<1024x128xi1> to vector<1024x128xi32>
      %convert_element_type3A_85 = arith.sitofp %convert_element_type3A_84 : vector<1024x128xi32> to vector<1024x128xf32>
      %add3A_86 = arith.addf %convert_element_type3A_81, %convert_element_type3A_85 : vector<1024x128xf32>
      %iota3A_87 = tpu.iota {dimensions = array<i32: 0>} : vector<1024x1024xi32>
      %iota3A_88 = tpu.iota {dimensions = array<i32: 1>} : vector<1024x1024xi32>
      %gt3A = arith.cmpi sgt, %iota3A_87, %iota3A_88 : vector<1024x1024xi32>
      %convert_element_type3A_89 = arith.extui %gt3A : vector<1024x1024xi1> to vector<1024x1024xi32>
      %convert_element_type3A_90 = arith.sitofp %convert_element_type3A_89 : vector<1024x1024xi32> to vector<1024x1024xf32>
      %dot_general3A_91 = arith.constant dense<0.000000e+00> : vector<1024x128xf32>
      %dot_general3A_92 = tpu.matmul %convert_element_type3A_90, %add3A_86, %dot_general3A_91 {dimension_numbers = #tpu.dot_dimension_numbers<[1], [0], [0], [1], [0, 0, 1, 1], [], []>, transpose_lhs_hint = false} : vector<1024x1024xf32>, vector<1024x128xf32>, vector<1024x128xf32> -> vector<1024x128xf32>
      %eq3A_93 = arith.constant 0 : i32
      %eq3A_94 = arith.cmpi eq, %arg0, %eq3A_93 : i32
      %convert_element_type3A_95 = arith.extui %eq3A_94 : i1 to i32
      %cond3A_96 = arith.constant 0 : i32
      %cond3A_97 = arith.cmpi ne, %convert_element_type3A_95, %cond3A_96 : i32
      scf.if %cond3A_97 {
        %broadcast_in_dim3A_160 = arith.constant 0.000000e+00 : f32
        %broadcast_in_dim3A_161 = vector.broadcast %broadcast_in_dim3A_160 : f32 to vector<1x128xf32>
        %swap3A_162 = arith.constant 0 : index
        %swap3A_163 = arith.constant 0 : index
        %swap3A_164 = vector.load %arg11[%swap3A_162, %swap3A_163] : memref<1x128xf32, #tpu.memory_space<vmem>>, vector<1x128xf32>
        tpu.vector_store %arg11[%swap3A_162, %swap3A_163], %broadcast_in_dim3A_161 {strides = array<i32>} : memref<1x128xf32, #tpu.memory_space<vmem>>, vector<1x128xf32>,
      } else {
      }
      %get3A_98 = arith.constant 0 : index
      %get3A_99 = arith.constant 0 : index
      %get3A_100 = vector.load %arg11[%get3A_98, %get3A_99] : memref<1x128xf32, #tpu.memory_space<vmem>>, vector<1x128xf32>
      %add3A_101 = vector.broadcast %get3A_100 : vector<1x128xf32> to vector<1024x128xf32>
      %add3A_102 = arith.addf %add3A_101, %dot_general3A_92 : vector<1024x128xf32>
      %eq3A_103 = vector.broadcast %broadcast_in_dim3A_61 : vector<1024x1xi32> to vector<1024x128xi32>
      %eq3A_104 = arith.cmpi eq, %iota3A, %eq3A_103 : vector<1024x128xi32>
      %jit3A_105 = arith.constant 0.000000e+00 : f32
      %broadcast_in_dim3A_106 = vector.broadcast %jit3A_105 : f32 to vector<1024x128xf32>
      %select_n3A_107 = arith.select %eq3A_104, %add3A_102, %broadcast_in_dim3A_106 : vector<1024x128xi1>, vector<1024x128xf32>
      %reduce_sum3A_108 = arith.constant dense<0.000000e+00> : vector<1024xf32>
      %reduce_sum3A_109 = vector.multi_reduction <add>, %select_n3A_107, %reduce_sum3A_108 [1] : vector<1024x128xf32> to vector<1024xf32>
      %broadcast_in_dim3A_110 = vector.shape_cast %reduce_sum3A_109 : vector<1024xf32> to vector<1024x1xf32>
      %eq3A_111 = vector.broadcast %broadcast_in_dim3A_77 : vector<1024x1xi32> to vector<1024x128xi32>
      %eq3A_112 = arith.cmpi eq, %iota3A, %eq3A_111 : vector<1024x128xi32>
      %jit3A_113 = arith.constant 0.000000e+00 : f32
      %broadcast_in_dim3A_114 = vector.broadcast %jit3A_113 : f32 to vector<1024x128xf32>
      %select_n3A_115 = arith.select %eq3A_112, %add3A_102, %broadcast_in_dim3A_114 : vector<1024x128xi1>, vector<1024x128xf32>
      %reduce_sum3A_116 = arith.constant dense<0.000000e+00> : vector<1024xf32>
      %reduce_sum3A_117 = vector.multi_reduction <add>, %select_n3A_115, %reduce_sum3A_116 [1] : vector<1024x128xf32> to vector<1024xf32>
      %broadcast_in_dim3A_118 = vector.shape_cast %reduce_sum3A_117 : vector<1024xf32> to vector<1024x1xf32>
      %reduce_sum3A_119 = arith.constant dense<0.000000e+00> : vector<128xf32>
      %reduce_sum3A_120 = vector.multi_reduction <add>, %add3A_86, %reduce_sum3A_119 [0] : vector<1024x128xf32> to vector<128xf32>
      %broadcast_in_dim3A_121 = vector.shape_cast %reduce_sum3A_120 : vector<128xf32> to vector<1x128xf32>
      %add3A_122 = arith.addf %get3A_100, %broadcast_in_dim3A_121 : vector<1x128xf32>
      %swap3A_123 = arith.constant 0 : index
      %swap3A_124 = arith.constant 0 : index
      %swap3A_125 = vector.load %arg11[%swap3A_123, %swap3A_124] : memref<1x128xf32, #tpu.memory_space<vmem>>, vector<1x128xf32>
      tpu.vector_store %arg11[%swap3A_123, %swap3A_124], %add3A_122 {strides = array<i32>} : memref<1x128xf32, #tpu.memory_space<vmem>>, vector<1x128xf32>,
      %eq3A_126 = arith.constant 0 : i32
      %eq3A_127 = vector.broadcast %eq3A_126 : i32 to vector<1024x128xi32>
      %eq3A_128 = arith.cmpi eq, %iota3A, %eq3A_127 : vector<1024x128xi32>
      %mul3A = arith.constant 5.000000e-01 : f32
      %mul3A_129 = vector.broadcast %mul3A : f32 to vector<1024x1xf32>
      %mul3A_130 = arith.mulf %broadcast_in_dim3A_54, %mul3A_129 : vector<1024x1xf32>
      %jit3A_131 = arith.constant 0.000000e+00 : f32
      %broadcast_in_dim3A_132 = vector.shape_cast %mul3A_130 : vector<1024x1xf32> to vector<1024x1xf32>
      %broadcast_in_dim3A_133 = vector.broadcast %broadcast_in_dim3A_132 : vector<1024x1xf32> to vector<1024x128xf32>
      %broadcast_in_dim3A_134 = vector.broadcast %jit3A_131 : f32 to vector<1024x128xf32>
      %select_n3A_135 = arith.select %eq3A_128, %broadcast_in_dim3A_133, %broadcast_in_dim3A_134 : vector<1024x128xi1>, vector<1024x128xf32>
      %eq3A_136 = arith.constant 1 : i32
      %eq3A_137 = vector.broadcast %eq3A_136 : i32 to vector<1024x128xi32>
      %eq3A_138 = arith.cmpi eq, %iota3A, %eq3A_137 : vector<1024x128xi32>
      %mul3A_139 = arith.constant 5.000000e-01 : f32
      %mul3A_140 = vector.broadcast %mul3A_139 : f32 to vector<1024x1xf32>
      %mul3A_141 = arith.mulf %broadcast_in_dim3A_69, %mul3A_140 : vector<1024x1xf32>
      %jit3A_142 = arith.constant 0.000000e+00 : f32
      %broadcast_in_dim3A_143 = vector.shape_cast %mul3A_141 : vector<1024x1xf32> to vector<1024x1xf32>
      %broadcast_in_dim3A_144 = vector.broadcast %broadcast_in_dim3A_143 : vector<1024x1xf32> to vector<1024x128xf32>
      %broadcast_in_dim3A_145 = vector.broadcast %jit3A_142 : f32 to vector<1024x128xf32>
      %select_n3A_146 = arith.select %eq3A_138, %broadcast_in_dim3A_144, %broadcast_in_dim3A_145 : vector<1024x128xi1>, vector<1024x128xf32>
      %add3A_147 = arith.addf %select_n3A_135, %select_n3A_146 : vector<1024x128xf32>
      %swap3A_148 = arith.constant 0 : index
      %swap3A_149 = arith.constant 0 : index
      %swap3A_150 = vector.load %arg9[%swap3A_148, %swap3A_149] : memref<1024x128xf32, #tpu.memory_space<vmem>>, vector<1024x128xf32>
      tpu.vector_store %arg9[%swap3A_148, %swap3A_149], %add3A_147 {strides = array<i32>} : memref<1024x128xf32, #tpu.memory_space<vmem>>, vector<1024x128xf32>,
      %convert_element_type3A_151 = arith.sitofp %broadcast_in_dim3A_61 : vector<1024x1xi32> to vector<1024x1xf32>
      %convert_element_type3A_152 = arith.sitofp %broadcast_in_dim3A_77 : vector<1024x1xi32> to vector<1024x1xf32>
      %broadcast_in_dim3A_153 = arith.constant 0.000000e+00 : f32
      %broadcast_in_dim3A_154 = vector.broadcast %broadcast_in_dim3A_153 : f32 to vector<1024x4xf32>
      %concatenate3A = tpu.concatenate %convert_element_type3A_151, %convert_element_type3A_152, %broadcast_in_dim3A_110, %broadcast_in_dim3A_118, %broadcast_in_dim3A_154 in 1 : vector<1024x1xf32>, vector<1024x1xf32>, vector<1024x1xf32>, vector<1024x1xf32>, vector<1024x4xf32> -> vector<1024x8xf32>
      %transpose3A = tpu.transpose %concatenate3A, [1, 0] : vector<1024x8xf32> -> vector<8x1024xf32>
      %mul3A_155 = arith.constant 1024 : i32
      %mul3A_156 = arith.muli %arg0, %mul3A_155 : i32
      %swap3A_157 = arith.constant 0 : index
      %swap3A_158 = arith.index_cast %mul3A_156 : i32 to index
      %swap3A_159 = vector.load %arg12[%swap3A_157, %swap3A_158] : memref<8x2048xf32, #tpu.memory_space<vmem>>, vector<8x1024xf32>
      tpu.vector_store %arg12[%swap3A_157, %swap3A_158], %transpose3A {strides = array<i32>} : memref<8x2048xf32, #tpu.memory_space<vmem>>, vector<8x1024xf32>,
    } else {
    }
    %eq3A = arith.constant 2 : i32
    %eq3A_2 = arith.cmpi eq, %arg0, %eq3A : i32
    %convert_element_type3A_3 = arith.extui %eq3A_2 : i1 to i32
    %cond3A_4 = arith.constant 0 : i32
    %cond3A_5 = arith.cmpi ne, %convert_element_type3A_3, %cond3A_4 : i32
    scf.if %cond3A_5 {
      %get3A = arith.constant 0 : index
      %get3A_6 = arith.constant 0 : index
      %get3A_7 = vector.load %arg11[%get3A, %get3A_6] : memref<1x128xf32, #tpu.memory_space<vmem>>, vector<1x128xf32>
      %iota3A = tpu.iota {dimensions = array<i32: 1>} : vector<1x128xi32>
      %iota3A_8 = tpu.iota {dimensions = array<i32: 0>} : vector<8x2048xi32>
      %eq3A_9 = arith.constant 0 : i32
      %eq3A_10 = vector.broadcast %eq3A_9 : i32 to vector<1x128xi32>
      %eq3A_11 = arith.cmpi eq, %iota3A, %eq3A_10 : vector<1x128xi32>
      %jit3A = arith.constant 0.000000e+00 : f32
      %broadcast_in_dim3A = vector.broadcast %jit3A : f32 to vector<1x128xf32>
      %select_n3A = arith.select %eq3A_11, %get3A_7, %broadcast_in_dim3A : vector<1x128xi1>, vector<1x128xf32>
      %reduce_sum3A = vector.shape_cast %select_n3A : vector<1x128xf32> to vector<1x1x128xf32>
      %reduce_sum3A_12 = arith.constant dense<0.000000e+00> : vector<1xf32>
      %reduce_sum3A_13 = vector.multi_reduction <add>, %reduce_sum3A, %reduce_sum3A_12 [1, 2] : vector<1x1x128xf32> to vector<1xf32>
      %reduce_sum3A_14 = vector.shape_cast %reduce_sum3A_13 : vector<1xf32> to vector<1x1x1xf32>
      %reduce_sum3A_15 = vector.extract %reduce_sum3A_14[0, 0, 0] : f32 from vector<1x1x1xf32>
      %add3A = arith.constant 2.550000e+02 : f32
      %add3A_16 = arith.addf %reduce_sum3A_15, %add3A : f32
      %mul3A = arith.constant 3.906250e-03 : f32
      %mul3A_17 = arith.mulf %add3A_16, %mul3A : f32
      %floor3A = math.floor %mul3A_17 : f32
      %add3A_18 = arith.constant 0.000000e+00 : f32
      %add3A_19 = arith.addf %add3A_18, %floor3A : f32
      %eq3A_20 = arith.constant 1 : i32
      %eq3A_21 = vector.broadcast %eq3A_20 : i32 to vector<1x128xi32>
      %eq3A_22 = arith.cmpi eq, %iota3A, %eq3A_21 : vector<1x128xi32>
      %jit3A_23 = arith.constant 0.000000e+00 : f32
      %broadcast_in_dim3A_24 = vector.broadcast %jit3A_23 : f32 to vector<1x128xf32>
      %select_n3A_25 = arith.select %eq3A_22, %get3A_7, %broadcast_in_dim3A_24 : vector<1x128xi1>, vector<1x128xf32>
      %reduce_sum3A_26 = vector.shape_cast %select_n3A_25 : vector<1x128xf32> to vector<1x1x128xf32>
      %reduce_sum3A_27 = arith.constant dense<0.000000e+00> : vector<1xf32>
      %reduce_sum3A_28 = vector.multi_reduction <add>, %reduce_sum3A_26, %reduce_sum3A_27 [1, 2] : vector<1x1x128xf32> to vector<1xf32>
      %reduce_sum3A_29 = vector.shape_cast %reduce_sum3A_28 : vector<1xf32> to vector<1x1x1xf32>
      %reduce_sum3A_30 = vector.extract %reduce_sum3A_29[0, 0, 0] : f32 from vector<1x1x1xf32>
      %add3A_31 = arith.constant 2.550000e+02 : f32
      %add3A_32 = arith.addf %reduce_sum3A_30, %add3A_31 : f32
      %mul3A_33 = arith.constant 3.906250e-03 : f32
      %mul3A_34 = arith.mulf %add3A_32, %mul3A_33 : f32
      %floor3A_35 = math.floor %mul3A_34 : f32
      %mul3A_36 = arith.constant 2.560000e+02 : f32
      %mul3A_37 = arith.mulf %add3A_19, %mul3A_36 : f32
      %add3A_38 = arith.addf %add3A_19, %floor3A_35 : f32
      %eq3A_39 = arith.constant 2 : i32
      %eq3A_40 = vector.broadcast %eq3A_39 : i32 to vector<1x128xi32>
      %eq3A_41 = arith.cmpi eq, %iota3A, %eq3A_40 : vector<1x128xi32>
      %jit3A_42 = arith.constant 0.000000e+00 : f32
      %broadcast_in_dim3A_43 = vector.broadcast %jit3A_42 : f32 to vector<1x128xf32>
      %select_n3A_44 = arith.select %eq3A_41, %get3A_7, %broadcast_in_dim3A_43 : vector<1x128xi1>, vector<1x128xf32>
      %reduce_sum3A_45 = vector.shape_cast %select_n3A_44 : vector<1x128xf32> to vector<1x1x128xf32>
      %reduce_sum3A_46 = arith.constant dense<0.000000e+00> : vector<1xf32>
      %reduce_sum3A_47 = vector.multi_reduction <add>, %reduce_sum3A_45, %reduce_sum3A_46 [1, 2] : vector<1x1x128xf32> to vector<1xf32>
      %reduce_sum3A_48 = vector.shape_cast %reduce_sum3A_47 : vector<1xf32> to vector<1x1x1xf32>
      %reduce_sum3A_49 = vector.extract %reduce_sum3A_48[0, 0, 0] : f32 from vector<1x1x1xf32>
      %add3A_50 = arith.constant 2.550000e+02 : f32
      %add3A_51 = arith.addf %reduce_sum3A_49, %add3A_50 : f32
      %mul3A_52 = arith.constant 3.906250e-03 : f32
      %mul3A_53 = arith.mulf %add3A_51, %mul3A_52 : f32
      %floor3A_54 = math.floor %mul3A_53 : f32
      %mul3A_55 = arith.constant 2.560000e+02 : f32
      %mul3A_56 = arith.mulf %add3A_38, %mul3A_55 : f32
      %add3A_57 = arith.addf %add3A_38, %floor3A_54 : f32
      %eq3A_58 = arith.constant 3 : i32
      %eq3A_59 = vector.broadcast %eq3A_58 : i32 to vector<1x128xi32>
      %eq3A_60 = arith.cmpi eq, %iota3A, %eq3A_59 : vector<1x128xi32>
      %jit3A_61 = arith.constant 0.000000e+00 : f32
      %broadcast_in_dim3A_62 = vector.broadcast %jit3A_61 : f32 to vector<1x128xf32>
      %select_n3A_63 = arith.select %eq3A_60, %get3A_7, %broadcast_in_dim3A_62 : vector<1x128xi1>, vector<1x128xf32>
      %reduce_sum3A_64 = vector.shape_cast %select_n3A_63 : vector<1x128xf32> to vector<1x1x128xf32>
      %reduce_sum3A_65 = arith.constant dense<0.000000e+00> : vector<1xf32>
      %reduce_sum3A_66 = vector.multi_reduction <add>, %reduce_sum3A_64, %reduce_sum3A_65 [1, 2] : vector<1x1x128xf32> to vector<1xf32>
      %reduce_sum3A_67 = vector.shape_cast %reduce_sum3A_66 : vector<1xf32> to vector<1x1x1xf32>
      %reduce_sum3A_68 = vector.extract %reduce_sum3A_67[0, 0, 0] : f32 from vector<1x1x1xf32>
      %add3A_69 = arith.constant 2.550000e+02 : f32
      %add3A_70 = arith.addf %reduce_sum3A_68, %add3A_69 : f32
      %mul3A_71 = arith.constant 3.906250e-03 : f32
      %mul3A_72 = arith.mulf %add3A_70, %mul3A_71 : f32
      %floor3A_73 = math.floor %mul3A_72 : f32
      %mul3A_74 = arith.constant 2.560000e+02 : f32
      %mul3A_75 = arith.mulf %add3A_57, %mul3A_74 : f32
      %add3A_76 = arith.addf %add3A_57, %floor3A_73 : f32
      %eq3A_77 = arith.constant 4 : i32
      %eq3A_78 = vector.broadcast %eq3A_77 : i32 to vector<1x128xi32>
      %eq3A_79 = arith.cmpi eq, %iota3A, %eq3A_78 : vector<1x128xi32>
      %jit3A_80 = arith.constant 0.000000e+00 : f32
      %broadcast_in_dim3A_81 = vector.broadcast %jit3A_80 : f32 to vector<1x128xf32>
      %select_n3A_82 = arith.select %eq3A_79, %get3A_7, %broadcast_in_dim3A_81 : vector<1x128xi1>, vector<1x128xf32>
      %reduce_sum3A_83 = vector.shape_cast %select_n3A_82 : vector<1x128xf32> to vector<1x1x128xf32>
      %reduce_sum3A_84 = arith.constant dense<0.000000e+00> : vector<1xf32>
      %reduce_sum3A_85 = vector.multi_reduction <add>, %reduce_sum3A_83, %reduce_sum3A_84 [1, 2] : vector<1x1x128xf32> to vector<1xf32>
      %reduce_sum3A_86 = vector.shape_cast %reduce_sum3A_85 : vector<1xf32> to vector<1x1x1xf32>
      %reduce_sum3A_87 = vector.extract %reduce_sum3A_86[0, 0, 0] : f32 from vector<1x1x1xf32>
      %add3A_88 = arith.constant 2.550000e+02 : f32
      %add3A_89 = arith.addf %reduce_sum3A_87, %add3A_88 : f32
      %mul3A_90 = arith.constant 3.906250e-03 : f32
      %mul3A_91 = arith.mulf %add3A_89, %mul3A_90 : f32
      %floor3A_92 = math.floor %mul3A_91 : f32
      %mul3A_93 = arith.constant 2.560000e+02 : f32
      %mul3A_94 = arith.mulf %add3A_76, %mul3A_93 : f32
      %add3A_95 = arith.addf %add3A_76, %floor3A_92 : f32
      %eq3A_96 = arith.constant 5 : i32
      %eq3A_97 = vector.broadcast %eq3A_96 : i32 to vector<1x128xi32>
      %eq3A_98 = arith.cmpi eq, %iota3A, %eq3A_97 : vector<1x128xi32>
      %jit3A_99 = arith.constant 0.000000e+00 : f32
      %broadcast_in_dim3A_100 = vector.broadcast %jit3A_99 : f32 to vector<1x128xf32>
      %select_n3A_101 = arith.select %eq3A_98, %get3A_7, %broadcast_in_dim3A_100 : vector<1x128xi1>, vector<1x128xf32>
      %reduce_sum3A_102 = vector.shape_cast %select_n3A_101 : vector<1x128xf32> to vector<1x1x128xf32>
      %reduce_sum3A_103 = arith.constant dense<0.000000e+00> : vector<1xf32>
      %reduce_sum3A_104 = vector.multi_reduction <add>, %reduce_sum3A_102, %reduce_sum3A_103 [1, 2] : vector<1x1x128xf32> to vector<1xf32>
      %reduce_sum3A_105 = vector.shape_cast %reduce_sum3A_104 : vector<1xf32> to vector<1x1x1xf32>
      %reduce_sum3A_106 = vector.extract %reduce_sum3A_105[0, 0, 0] : f32 from vector<1x1x1xf32>
      %add3A_107 = arith.constant 2.550000e+02 : f32
      %add3A_108 = arith.addf %reduce_sum3A_106, %add3A_107 : f32
      %mul3A_109 = arith.constant 3.906250e-03 : f32
      %mul3A_110 = arith.mulf %add3A_108, %mul3A_109 : f32
      %floor3A_111 = math.floor %mul3A_110 : f32
      %mul3A_112 = arith.constant 2.560000e+02 : f32
      %mul3A_113 = arith.mulf %add3A_95, %mul3A_112 : f32
      %add3A_114 = arith.addf %add3A_95, %floor3A_111 : f32
      %eq3A_115 = arith.constant 6 : i32
      %eq3A_116 = vector.broadcast %eq3A_115 : i32 to vector<1x128xi32>
      %eq3A_117 = arith.cmpi eq, %iota3A, %eq3A_116 : vector<1x128xi32>
      %jit3A_118 = arith.constant 0.000000e+00 : f32
      %broadcast_in_dim3A_119 = vector.broadcast %jit3A_118 : f32 to vector<1x128xf32>
      %select_n3A_120 = arith.select %eq3A_117, %get3A_7, %broadcast_in_dim3A_119 : vector<1x128xi1>, vector<1x128xf32>
      %reduce_sum3A_121 = vector.shape_cast %select_n3A_120 : vector<1x128xf32> to vector<1x1x128xf32>
      %reduce_sum3A_122 = arith.constant dense<0.000000e+00> : vector<1xf32>
      %reduce_sum3A_123 = vector.multi_reduction <add>, %reduce_sum3A_121, %reduce_sum3A_122 [1, 2] : vector<1x1x128xf32> to vector<1xf32>
      %reduce_sum3A_124 = vector.shape_cast %reduce_sum3A_123 : vector<1xf32> to vector<1x1x1xf32>
      %reduce_sum3A_125 = vector.extract %reduce_sum3A_124[0, 0, 0] : f32 from vector<1x1x1xf32>
      %add3A_126 = arith.constant 2.550000e+02 : f32
      %add3A_127 = arith.addf %reduce_sum3A_125, %add3A_126 : f32
      %mul3A_128 = arith.constant 3.906250e-03 : f32
      %mul3A_129 = arith.mulf %add3A_127, %mul3A_128 : f32
      %floor3A_130 = math.floor %mul3A_129 : f32
      %mul3A_131 = arith.constant 2.560000e+02 : f32
      %mul3A_132 = arith.mulf %add3A_114, %mul3A_131 : f32
      %add3A_133 = arith.addf %add3A_114, %floor3A_130 : f32
      %eq3A_134 = arith.constant 7 : i32
      %eq3A_135 = vector.broadcast %eq3A_134 : i32 to vector<1x128xi32>
      %eq3A_136 = arith.cmpi eq, %iota3A, %eq3A_135 : vector<1x128xi32>
      %jit3A_137 = arith.constant 0.000000e+00 : f32
      %broadcast_in_dim3A_138 = vector.broadcast %jit3A_137 : f32 to vector<1x128xf32>
      %select_n3A_139 = arith.select %eq3A_136, %get3A_7, %broadcast_in_dim3A_138 : vector<1x128xi1>, vector<1x128xf32>
      %reduce_sum3A_140 = vector.shape_cast %select_n3A_139 : vector<1x128xf32> to vector<1x1x128xf32>
      %reduce_sum3A_141 = arith.constant dense<0.000000e+00> : vector<1xf32>
      %reduce_sum3A_142 = vector.multi_reduction <add>, %reduce_sum3A_140, %reduce_sum3A_141 [1, 2] : vector<1x1x128xf32> to vector<1xf32>
      %reduce_sum3A_143 = vector.shape_cast %reduce_sum3A_142 : vector<1xf32> to vector<1x1x1xf32>
      %reduce_sum3A_144 = vector.extract %reduce_sum3A_143[0, 0, 0] : f32 from vector<1x1x1xf32>
      %add3A_145 = arith.constant 2.550000e+02 : f32
      %add3A_146 = arith.addf %reduce_sum3A_144, %add3A_145 : f32
      %mul3A_147 = arith.constant 3.906250e-03 : f32
      %mul3A_148 = arith.mulf %add3A_146, %mul3A_147 : f32
      %floor3A_149 = math.floor %mul3A_148 : f32
      %mul3A_150 = arith.constant 2.560000e+02 : f32
      %mul3A_151 = arith.mulf %add3A_133, %mul3A_150 : f32
      %add3A_152 = arith.addf %add3A_133, %floor3A_149 : f32
      %get3A_153 = arith.constant 0 : index
      %get3A_154 = arith.constant 0 : index
      %get3A_155 = vector.load %arg12[%get3A_153, %get3A_154] : memref<8x2048xf32, #tpu.memory_space<vmem>>, vector<8x2048xf32>
      %slice3A = vector.extract_strided_slice %get3A_155 {offsets = [0, 0], sizes = [1, 2048], strides = [1, 1]} : vector<8x2048xf32> to vector<1x2048xf32>
      %slice3A_156 = vector.extract_strided_slice %get3A_155 {offsets = [1, 0], sizes = [1, 2048], strides = [1, 1]} : vector<8x2048xf32> to vector<1x2048xf32>
      %slice3A_157 = vector.extract_strided_slice %get3A_155 {offsets = [2, 0], sizes = [1, 2048], strides = [1, 1]} : vector<8x2048xf32> to vector<1x2048xf32>
      %slice3A_158 = vector.extract_strided_slice %get3A_155 {offsets = [3, 0], sizes = [1, 2048], strides = [1, 1]} : vector<8x2048xf32> to vector<1x2048xf32>
      %eq3A_159 = arith.constant 0.000000e+00 : f32
      %eq3A_160 = vector.broadcast %eq3A_159 : f32 to vector<1x2048xf32>
      %eq3A_161 = arith.cmpf oeq, %slice3A, %eq3A_160 : vector<1x2048xf32>
      %jit3A_162 = arith.constant 0.000000e+00 : f32
      %jit3A_163 = arith.constant 0.000000e+00 : f32
      %broadcast_in_dim3A_164 = vector.broadcast %jit3A_162 : f32 to vector<1x2048xf32>
      %broadcast_in_dim3A_165 = vector.broadcast %jit3A_163 : f32 to vector<1x2048xf32>
      %select_n3A_166 = arith.select %eq3A_161, %broadcast_in_dim3A_164, %broadcast_in_dim3A_165 : vector<1x2048xi1>, vector<1x2048xf32>
      %add3A_167 = arith.addf %slice3A_157, %select_n3A_166 : vector<1x2048xf32>
      %eq3A_168 = arith.constant 0.000000e+00 : f32
      %eq3A_169 = vector.broadcast %eq3A_168 : f32 to vector<1x2048xf32>
      %eq3A_170 = arith.cmpf oeq, %slice3A_156, %eq3A_169 : vector<1x2048xf32>
      %jit3A_171 = arith.constant 0.000000e+00 : f32
      %jit3A_172 = arith.constant 0.000000e+00 : f32
      %broadcast_in_dim3A_173 = vector.broadcast %jit3A_171 : f32 to vector<1x2048xf32>
      %broadcast_in_dim3A_174 = vector.broadcast %jit3A_172 : f32 to vector<1x2048xf32>
      %select_n3A_175 = arith.select %eq3A_170, %broadcast_in_dim3A_173, %broadcast_in_dim3A_174 : vector<1x2048xi1>, vector<1x2048xf32>
      %add3A_176 = arith.addf %slice3A_158, %select_n3A_175 : vector<1x2048xf32>
      %eq3A_177 = arith.constant 1.000000e+00 : f32
      %eq3A_178 = vector.broadcast %eq3A_177 : f32 to vector<1x2048xf32>
      %eq3A_179 = arith.cmpf oeq, %slice3A, %eq3A_178 : vector<1x2048xf32>
      %jit3A_180 = arith.constant 0.000000e+00 : f32
      %broadcast_in_dim3A_181 = vector.broadcast %mul3A_37 : f32 to vector<1x2048xf32>
      %broadcast_in_dim3A_182 = vector.broadcast %jit3A_180 : f32 to vector<1x2048xf32>
      %select_n3A_183 = arith.select %eq3A_179, %broadcast_in_dim3A_181, %broadcast_in_dim3A_182 : vector<1x2048xi1>, vector<1x2048xf32>
      %add3A_184 = arith.addf %add3A_167, %select_n3A_183 : vector<1x2048xf32>
      %eq3A_185 = arith.constant 1.000000e+00 : f32
      %eq3A_186 = vector.broadcast %eq3A_185 : f32 to vector<1x2048xf32>
      %eq3A_187 = arith.cmpf oeq, %slice3A_156, %eq3A_186 : vector<1x2048xf32>
      %jit3A_188 = arith.constant 0.000000e+00 : f32
      %broadcast_in_dim3A_189 = vector.broadcast %mul3A_37 : f32 to vector<1x2048xf32>
      %broadcast_in_dim3A_190 = vector.broadcast %jit3A_188 : f32 to vector<1x2048xf32>
      %select_n3A_191 = arith.select %eq3A_187, %broadcast_in_dim3A_189, %broadcast_in_dim3A_190 : vector<1x2048xi1>, vector<1x2048xf32>
      %add3A_192 = arith.addf %add3A_176, %select_n3A_191 : vector<1x2048xf32>
      %eq3A_193 = arith.constant 2.000000e+00 : f32
      %eq3A_194 = vector.broadcast %eq3A_193 : f32 to vector<1x2048xf32>
      %eq3A_195 = arith.cmpf oeq, %slice3A, %eq3A_194 : vector<1x2048xf32>
      %jit3A_196 = arith.constant 0.000000e+00 : f32
      %broadcast_in_dim3A_197 = vector.broadcast %mul3A_56 : f32 to vector<1x2048xf32>
      %broadcast_in_dim3A_198 = vector.broadcast %jit3A_196 : f32 to vector<1x2048xf32>
      %select_n3A_199 = arith.select %eq3A_195, %broadcast_in_dim3A_197, %broadcast_in_dim3A_198 : vector<1x2048xi1>, vector<1x2048xf32>
      %add3A_200 = arith.addf %add3A_184, %select_n3A_199 : vector<1x2048xf32>
      %eq3A_201 = arith.constant 2.000000e+00 : f32
      %eq3A_202 = vector.broadcast %eq3A_201 : f32 to vector<1x2048xf32>
      %eq3A_203 = arith.cmpf oeq, %slice3A_156, %eq3A_202 : vector<1x2048xf32>
      %jit3A_204 = arith.constant 0.000000e+00 : f32
      %broadcast_in_dim3A_205 = vector.broadcast %mul3A_56 : f32 to vector<1x2048xf32>
      %broadcast_in_dim3A_206 = vector.broadcast %jit3A_204 : f32 to vector<1x2048xf32>
      %select_n3A_207 = arith.select %eq3A_203, %broadcast_in_dim3A_205, %broadcast_in_dim3A_206 : vector<1x2048xi1>, vector<1x2048xf32>
      %add3A_208 = arith.addf %add3A_192, %select_n3A_207 : vector<1x2048xf32>
      %eq3A_209 = arith.constant 3.000000e+00 : f32
      %eq3A_210 = vector.broadcast %eq3A_209 : f32 to vector<1x2048xf32>
      %eq3A_211 = arith.cmpf oeq, %slice3A, %eq3A_210 : vector<1x2048xf32>
      %jit3A_212 = arith.constant 0.000000e+00 : f32
      %broadcast_in_dim3A_213 = vector.broadcast %mul3A_75 : f32 to vector<1x2048xf32>
      %broadcast_in_dim3A_214 = vector.broadcast %jit3A_212 : f32 to vector<1x2048xf32>
      %select_n3A_215 = arith.select %eq3A_211, %broadcast_in_dim3A_213, %broadcast_in_dim3A_214 : vector<1x2048xi1>, vector<1x2048xf32>
      %add3A_216 = arith.addf %add3A_200, %select_n3A_215 : vector<1x2048xf32>
      %eq3A_217 = arith.constant 3.000000e+00 : f32
      %eq3A_218 = vector.broadcast %eq3A_217 : f32 to vector<1x2048xf32>
      %eq3A_219 = arith.cmpf oeq, %slice3A_156, %eq3A_218 : vector<1x2048xf32>
      %jit3A_220 = arith.constant 0.000000e+00 : f32
      %broadcast_in_dim3A_221 = vector.broadcast %mul3A_75 : f32 to vector<1x2048xf32>
      %broadcast_in_dim3A_222 = vector.broadcast %jit3A_220 : f32 to vector<1x2048xf32>
      %select_n3A_223 = arith.select %eq3A_219, %broadcast_in_dim3A_221, %broadcast_in_dim3A_222 : vector<1x2048xi1>, vector<1x2048xf32>
      %add3A_224 = arith.addf %add3A_208, %select_n3A_223 : vector<1x2048xf32>
      %eq3A_225 = arith.constant 4.000000e+00 : f32
      %eq3A_226 = vector.broadcast %eq3A_225 : f32 to vector<1x2048xf32>
      %eq3A_227 = arith.cmpf oeq, %slice3A, %eq3A_226 : vector<1x2048xf32>
      %jit3A_228 = arith.constant 0.000000e+00 : f32
      %broadcast_in_dim3A_229 = vector.broadcast %mul3A_94 : f32 to vector<1x2048xf32>
      %broadcast_in_dim3A_230 = vector.broadcast %jit3A_228 : f32 to vector<1x2048xf32>
      %select_n3A_231 = arith.select %eq3A_227, %broadcast_in_dim3A_229, %broadcast_in_dim3A_230 : vector<1x2048xi1>, vector<1x2048xf32>
      %add3A_232 = arith.addf %add3A_216, %select_n3A_231 : vector<1x2048xf32>
      %eq3A_233 = arith.constant 4.000000e+00 : f32
      %eq3A_234 = vector.broadcast %eq3A_233 : f32 to vector<1x2048xf32>
      %eq3A_235 = arith.cmpf oeq, %slice3A_156, %eq3A_234 : vector<1x2048xf32>
      %jit3A_236 = arith.constant 0.000000e+00 : f32
      %broadcast_in_dim3A_237 = vector.broadcast %mul3A_94 : f32 to vector<1x2048xf32>
      %broadcast_in_dim3A_238 = vector.broadcast %jit3A_236 : f32 to vector<1x2048xf32>
      %select_n3A_239 = arith.select %eq3A_235, %broadcast_in_dim3A_237, %broadcast_in_dim3A_238 : vector<1x2048xi1>, vector<1x2048xf32>
      %add3A_240 = arith.addf %add3A_224, %select_n3A_239 : vector<1x2048xf32>
      %eq3A_241 = arith.constant 5.000000e+00 : f32
      %eq3A_242 = vector.broadcast %eq3A_241 : f32 to vector<1x2048xf32>
      %eq3A_243 = arith.cmpf oeq, %slice3A, %eq3A_242 : vector<1x2048xf32>
      %jit3A_244 = arith.constant 0.000000e+00 : f32
      %broadcast_in_dim3A_245 = vector.broadcast %mul3A_113 : f32 to vector<1x2048xf32>
      %broadcast_in_dim3A_246 = vector.broadcast %jit3A_244 : f32 to vector<1x2048xf32>
      %select_n3A_247 = arith.select %eq3A_243, %broadcast_in_dim3A_245, %broadcast_in_dim3A_246 : vector<1x2048xi1>, vector<1x2048xf32>
      %add3A_248 = arith.addf %add3A_232, %select_n3A_247 : vector<1x2048xf32>
      %eq3A_249 = arith.constant 5.000000e+00 : f32
      %eq3A_250 = vector.broadcast %eq3A_249 : f32 to vector<1x2048xf32>
      %eq3A_251 = arith.cmpf oeq, %slice3A_156, %eq3A_250 : vector<1x2048xf32>
      %jit3A_252 = arith.constant 0.000000e+00 : f32
      %broadcast_in_dim3A_253 = vector.broadcast %mul3A_113 : f32 to vector<1x2048xf32>
      %broadcast_in_dim3A_254 = vector.broadcast %jit3A_252 : f32 to vector<1x2048xf32>
      %select_n3A_255 = arith.select %eq3A_251, %broadcast_in_dim3A_253, %broadcast_in_dim3A_254 : vector<1x2048xi1>, vector<1x2048xf32>
      %add3A_256 = arith.addf %add3A_240, %select_n3A_255 : vector<1x2048xf32>
      %eq3A_257 = arith.constant 6.000000e+00 : f32
      %eq3A_258 = vector.broadcast %eq3A_257 : f32 to vector<1x2048xf32>
      %eq3A_259 = arith.cmpf oeq, %slice3A, %eq3A_258 : vector<1x2048xf32>
      %jit3A_260 = arith.constant 0.000000e+00 : f32
      %broadcast_in_dim3A_261 = vector.broadcast %mul3A_132 : f32 to vector<1x2048xf32>
      %broadcast_in_dim3A_262 = vector.broadcast %jit3A_260 : f32 to vector<1x2048xf32>
      %select_n3A_263 = arith.select %eq3A_259, %broadcast_in_dim3A_261, %broadcast_in_dim3A_262 : vector<1x2048xi1>, vector<1x2048xf32>
      %add3A_264 = arith.addf %add3A_248, %select_n3A_263 : vector<1x2048xf32>
      %eq3A_265 = arith.constant 6.000000e+00 : f32
      %eq3A_266 = vector.broadcast %eq3A_265 : f32 to vector<1x2048xf32>
      %eq3A_267 = arith.cmpf oeq, %slice3A_156, %eq3A_266 : vector<1x2048xf32>
      %jit3A_268 = arith.constant 0.000000e+00 : f32
      %broadcast_in_dim3A_269 = vector.broadcast %mul3A_132 : f32 to vector<1x2048xf32>
      %broadcast_in_dim3A_270 = vector.broadcast %jit3A_268 : f32 to vector<1x2048xf32>
      %select_n3A_271 = arith.select %eq3A_267, %broadcast_in_dim3A_269, %broadcast_in_dim3A_270 : vector<1x2048xi1>, vector<1x2048xf32>
      %add3A_272 = arith.addf %add3A_256, %select_n3A_271 : vector<1x2048xf32>
      %eq3A_273 = arith.constant 7.000000e+00 : f32
      %eq3A_274 = vector.broadcast %eq3A_273 : f32 to vector<1x2048xf32>
      %eq3A_275 = arith.cmpf oeq, %slice3A, %eq3A_274 : vector<1x2048xf32>
      %jit3A_276 = arith.constant 0.000000e+00 : f32
      %broadcast_in_dim3A_277 = vector.broadcast %mul3A_151 : f32 to vector<1x2048xf32>
      %broadcast_in_dim3A_278 = vector.broadcast %jit3A_276 : f32 to vector<1x2048xf32>
      %select_n3A_279 = arith.select %eq3A_275, %broadcast_in_dim3A_277, %broadcast_in_dim3A_278 : vector<1x2048xi1>, vector<1x2048xf32>
      %add3A_280 = arith.addf %add3A_264, %select_n3A_279 : vector<1x2048xf32>
      %eq3A_281 = arith.constant 7.000000e+00 : f32
      %eq3A_282 = vector.broadcast %eq3A_281 : f32 to vector<1x2048xf32>
      %eq3A_283 = arith.cmpf oeq, %slice3A_156, %eq3A_282 : vector<1x2048xf32>
      %jit3A_284 = arith.constant 0.000000e+00 : f32
      %broadcast_in_dim3A_285 = vector.broadcast %mul3A_151 : f32 to vector<1x2048xf32>
      %broadcast_in_dim3A_286 = vector.broadcast %jit3A_284 : f32 to vector<1x2048xf32>
      %select_n3A_287 = arith.select %eq3A_283, %broadcast_in_dim3A_285, %broadcast_in_dim3A_286 : vector<1x2048xi1>, vector<1x2048xf32>
      %add3A_288 = arith.addf %add3A_272, %select_n3A_287 : vector<1x2048xf32>
      %iota3A_289 = tpu.iota {dimensions = array<i32: 1>} : vector<1x2048xi32>
      %convert_element_type3A_290 = arith.sitofp %iota3A_289 : vector<1x2048xi32> to vector<1x2048xf32>
      %broadcast_in_dim3A_291 = arith.constant 0.000000e+00 : f32
      %broadcast_in_dim3A_292 = vector.broadcast %broadcast_in_dim3A_291 : f32 to vector<1x2048xf32>
      %ge3A = vector.broadcast %add3A_19 : f32 to vector<1x2048xf32>
      %ge3A_293 = arith.cmpf oge, %convert_element_type3A_290, %ge3A : vector<1x2048xf32>
      %convert_element_type3A_294 = arith.extui %ge3A_293 : vector<1x2048xi1> to vector<1x2048xi32>
      %convert_element_type3A_295 = arith.sitofp %convert_element_type3A_294 : vector<1x2048xi32> to vector<1x2048xf32>
      %add3A_296 = arith.addf %broadcast_in_dim3A_292, %convert_element_type3A_295 : vector<1x2048xf32>
      %ge3A_297 = vector.broadcast %add3A_38 : f32 to vector<1x2048xf32>
      %ge3A_298 = arith.cmpf oge, %convert_element_type3A_290, %ge3A_297 : vector<1x2048xf32>
      %convert_element_type3A_299 = arith.extui %ge3A_298 : vector<1x2048xi1> to vector<1x2048xi32>
      %convert_element_type3A_300 = arith.sitofp %convert_element_type3A_299 : vector<1x2048xi32> to vector<1x2048xf32>
      %add3A_301 = arith.addf %add3A_296, %convert_element_type3A_300 : vector<1x2048xf32>
      %ge3A_302 = vector.broadcast %add3A_57 : f32 to vector<1x2048xf32>
      %ge3A_303 = arith.cmpf oge, %convert_element_type3A_290, %ge3A_302 : vector<1x2048xf32>
      %convert_element_type3A_304 = arith.extui %ge3A_303 : vector<1x2048xi1> to vector<1x2048xi32>
      %convert_element_type3A_305 = arith.sitofp %convert_element_type3A_304 : vector<1x2048xi32> to vector<1x2048xf32>
      %add3A_306 = arith.addf %add3A_301, %convert_element_type3A_305 : vector<1x2048xf32>
      %ge3A_307 = vector.broadcast %add3A_76 : f32 to vector<1x2048xf32>
      %ge3A_308 = arith.cmpf oge, %convert_element_type3A_290, %ge3A_307 : vector<1x2048xf32>
      %convert_element_type3A_309 = arith.extui %ge3A_308 : vector<1x2048xi1> to vector<1x2048xi32>
      %convert_element_type3A_310 = arith.sitofp %convert_element_type3A_309 : vector<1x2048xi32> to vector<1x2048xf32>
      %add3A_311 = arith.addf %add3A_306, %convert_element_type3A_310 : vector<1x2048xf32>
      %ge3A_312 = vector.broadcast %add3A_95 : f32 to vector<1x2048xf32>
      %ge3A_313 = arith.cmpf oge, %convert_element_type3A_290, %ge3A_312 : vector<1x2048xf32>
      %convert_element_type3A_314 = arith.extui %ge3A_313 : vector<1x2048xi1> to vector<1x2048xi32>
      %convert_element_type3A_315 = arith.sitofp %convert_element_type3A_314 : vector<1x2048xi32> to vector<1x2048xf32>
      %add3A_316 = arith.addf %add3A_311, %convert_element_type3A_315 : vector<1x2048xf32>
      %ge3A_317 = vector.broadcast %add3A_114 : f32 to vector<1x2048xf32>
      %ge3A_318 = arith.cmpf oge, %convert_element_type3A_290, %ge3A_317 : vector<1x2048xf32>
      %convert_element_type3A_319 = arith.extui %ge3A_318 : vector<1x2048xi1> to vector<1x2048xi32>
      %convert_element_type3A_320 = arith.sitofp %convert_element_type3A_319 : vector<1x2048xi32> to vector<1x2048xf32>
      %add3A_321 = arith.addf %add3A_316, %convert_element_type3A_320 : vector<1x2048xf32>
      %ge3A_322 = vector.broadcast %add3A_133 : f32 to vector<1x2048xf32>
      %ge3A_323 = arith.cmpf oge, %convert_element_type3A_290, %ge3A_322 : vector<1x2048xf32>
      %convert_element_type3A_324 = arith.extui %ge3A_323 : vector<1x2048xi1> to vector<1x2048xi32>
      %convert_element_type3A_325 = arith.sitofp %convert_element_type3A_324 : vector<1x2048xi32> to vector<1x2048xf32>
      %add3A_326 = arith.addf %add3A_321, %convert_element_type3A_325 : vector<1x2048xf32>
      %ge3A_327 = vector.broadcast %add3A_152 : f32 to vector<1x2048xf32>
      %ge3A_328 = arith.cmpf oge, %convert_element_type3A_290, %ge3A_327 : vector<1x2048xf32>
      %convert_element_type3A_329 = arith.extui %ge3A_328 : vector<1x2048xi1> to vector<1x2048xi32>
      %convert_element_type3A_330 = arith.sitofp %convert_element_type3A_329 : vector<1x2048xi32> to vector<1x2048xf32>
      %add3A_331 = arith.addf %add3A_326, %convert_element_type3A_330 : vector<1x2048xf32>
      %min3A = arith.constant 7.000000e+00 : f32
      %min3A_332 = vector.broadcast %min3A : f32 to vector<1x2048xf32>
      %min3A_333 = arith.minimumf %add3A_331, %min3A_332 : vector<1x2048xf32>
      %lt3A_334 = arith.constant 8.000000e+00 : f32
      %lt3A_335 = vector.broadcast %lt3A_334 : f32 to vector<1x2048xf32>
      %lt3A_336 = arith.cmpf olt, %add3A_331, %lt3A_335 : vector<1x2048xf32>
      %convert_element_type3A_337 = arith.extui %lt3A_336 : vector<1x2048xi1> to vector<1x2048xi32>
      %convert_element_type3A_338 = arith.sitofp %convert_element_type3A_337 : vector<1x2048xi32> to vector<1x2048xf32>
      %eq3A_339 = arith.constant 0 : i32
      %eq3A_340 = vector.broadcast %eq3A_339 : i32 to vector<8x2048xi32>
      %eq3A_341 = arith.cmpi eq, %iota3A_8, %eq3A_340 : vector<8x2048xi32>
      %jit3A_342 = arith.constant 0.000000e+00 : f32
      %broadcast_in_dim3A_343 = vector.shape_cast %add3A_280 : vector<1x2048xf32> to vector<1x2048xf32>
      %broadcast_in_dim3A_344 = vector.broadcast %broadcast_in_dim3A_343 : vector<1x2048xf32> to vector<8x2048xf32>
      %broadcast_in_dim3A_345 = vector.broadcast %jit3A_342 : f32 to vector<8x2048xf32>
      %select_n3A_346 = arith.select %eq3A_341, %broadcast_in_dim3A_344, %broadcast_in_dim3A_345 : vector<8x2048xi1>, vector<8x2048xf32>
      %eq3A_347 = arith.constant 1 : i32
      %eq3A_348 = vector.broadcast %eq3A_347 : i32 to vector<8x2048xi32>
      %eq3A_349 = arith.cmpi eq, %iota3A_8, %eq3A_348 : vector<8x2048xi32>
      %jit3A_350 = arith.constant 0.000000e+00 : f32
      %broadcast_in_dim3A_351 = vector.shape_cast %add3A_288 : vector<1x2048xf32> to vector<1x2048xf32>
      %broadcast_in_dim3A_352 = vector.broadcast %broadcast_in_dim3A_351 : vector<1x2048xf32> to vector<8x2048xf32>
      %broadcast_in_dim3A_353 = vector.broadcast %jit3A_350 : f32 to vector<8x2048xf32>
      %select_n3A_354 = arith.select %eq3A_349, %broadcast_in_dim3A_352, %broadcast_in_dim3A_353 : vector<8x2048xi1>, vector<8x2048xf32>
      %add3A_355 = arith.addf %select_n3A_346, %select_n3A_354 : vector<8x2048xf32>
      %eq3A_356 = arith.constant 4 : i32
      %eq3A_357 = vector.broadcast %eq3A_356 : i32 to vector<8x2048xi32>
      %eq3A_358 = arith.cmpi eq, %iota3A_8, %eq3A_357 : vector<8x2048xi32>
      %jit3A_359 = arith.constant 0.000000e+00 : f32
      %broadcast_in_dim3A_360 = vector.shape_cast %min3A_333 : vector<1x2048xf32> to vector<1x2048xf32>
      %broadcast_in_dim3A_361 = vector.broadcast %broadcast_in_dim3A_360 : vector<1x2048xf32> to vector<8x2048xf32>
      %broadcast_in_dim3A_362 = vector.broadcast %jit3A_359 : f32 to vector<8x2048xf32>
      %select_n3A_363 = arith.select %eq3A_358, %broadcast_in_dim3A_361, %broadcast_in_dim3A_362 : vector<8x2048xi1>, vector<8x2048xf32>
      %add3A_364 = arith.addf %add3A_355, %select_n3A_363 : vector<8x2048xf32>
      %eq3A_365 = arith.constant 5 : i32
      %eq3A_366 = vector.broadcast %eq3A_365 : i32 to vector<8x2048xi32>
      %eq3A_367 = arith.cmpi eq, %iota3A_8, %eq3A_366 : vector<8x2048xi32>
      %jit3A_368 = arith.constant 0.000000e+00 : f32
      %broadcast_in_dim3A_369 = vector.shape_cast %convert_element_type3A_338 : vector<1x2048xf32> to vector<1x2048xf32>
      %broadcast_in_dim3A_370 = vector.broadcast %broadcast_in_dim3A_369 : vector<1x2048xf32> to vector<8x2048xf32>
      %broadcast_in_dim3A_371 = vector.broadcast %jit3A_368 : f32 to vector<8x2048xf32>
      %select_n3A_372 = arith.select %eq3A_367, %broadcast_in_dim3A_370, %broadcast_in_dim3A_371 : vector<8x2048xi1>, vector<8x2048xf32>
      %add3A_373 = arith.addf %add3A_364, %select_n3A_372 : vector<8x2048xf32>
      %swap3A = arith.constant 0 : index
      %swap3A_374 = arith.constant 0 : index
      %swap3A_375 = vector.load %arg10[%swap3A, %swap3A_374] : memref<8x2048xf32, #tpu.memory_space<vmem>>, vector<8x2048xf32>
      tpu.vector_store %arg10[%swap3A, %swap3A_374], %add3A_373 {strides = array<i32>} : memref<8x2048xf32, #tpu.memory_space<vmem>>, vector<8x2048xf32>,
    } else {
    }
    return
  }
  func.func @transform_0(%arg0: i32) -> (i32, i32) {
    %min3A = arith.constant 1 : i32
    %min3A_0 = arith.minsi %arg0, %min3A : i32
    %c0_i32 = arith.constant 0 : i32
    %c0_i32_1 = arith.constant 0 : i32
    return %min3A_0, %c0_i32 : i32, i32
  }
  func.func @transform_1(%arg0: i32) -> (i32, i32) {
    %c0_i32 = arith.constant 0 : i32
    %c0_i32_0 = arith.constant 0 : i32
    %c0_i32_1 = arith.constant 0 : i32
    return %c0_i32, %c0_i32_0 : i32, i32
  }
  func.func @transform_2(%arg0: i32) -> (i32, i32) {
    %c0_i32 = arith.constant 0 : i32
    %c0_i32_0 = arith.constant 0 : i32
    %c0_i32_1 = arith.constant 0 : i32
    return %c0_i32, %c0_i32_0 : i32, i32
  }
  func.func @transform_3(%arg0: i32) -> (i32, i32) {
    %c0_i32 = arith.constant 0 : i32
    %c0_i32_0 = arith.constant 0 : i32
    %c0_i32_1 = arith.constant 0 : i32
    return %c0_i32, %c0_i32_0 : i32, i32
  }
  func.func @transform_4(%arg0: i32) -> (i32, i32) {
    %c0_i32 = arith.constant 0 : i32
    %c0_i32_0 = arith.constant 0 : i32
    %c0_i32_1 = arith.constant 0 : i32
    return %c0_i32, %c0_i32_0 : i32, i32
  }
  func.func @transform_5(%arg0: i32) -> (i32, i32) {
    %c0_i32 = arith.constant 0 : i32
    %c0_i32_0 = arith.constant 0 : i32
    %c0_i32_1 = arith.constant 0 : i32
    return %c0_i32, %c0_i32_0 : i32, i32
  }
  func.func @transform_6(%arg0: i32) -> (i32, i32) {
    %c0_i32 = arith.constant 0 : i32
    %c0_i32_0 = arith.constant 0 : i32
    %c0_i32_1 = arith.constant 0 : i32
    return %c0_i32, %c0_i32_0 : i32, i32
  }
  func.func @transform_7(%arg0: i32) -> (i32, i32) {
    %min3A = arith.constant 1 : i32
    %min3A_0 = arith.minsi %arg0, %min3A : i32
    %c0_i32 = arith.constant 0 : i32
    %c0_i32_1 = arith.constant 0 : i32
    return %min3A_0, %c0_i32 : i32, i32
  }
  func.func @transform_8(%arg0: i32) -> (i32, i32) {
    %min3A = arith.constant 1 : i32
    %min3A_0 = arith.minsi %arg0, %min3A : i32
    %c0_i32 = arith.constant 0 : i32
    %c0_i32_1 = arith.constant 0 : i32
    return %min3A_0, %c0_i32 : i32, i32
  }
  func.func @transform_9(%arg0: i32) -> (i32, i32) {
    %c0_i32 = arith.constant 0 : i32
    %c0_i32_0 = arith.constant 0 : i32
    %c0_i32_1 = arith.constant 0 : i32
    return %c0_i32, %c0_i32_0 : i32, i32
  }
}

module attributes {stable_mosaic.version = 14 : i64} {
  func.func @_combine_body(%arg0: i32, %arg1: memref<256x128xf32, #tpu.memory_space<vmem>>, %arg2: memref<256x256xf32, #tpu.memory_space<vmem>>, %arg3: memref<256x256xf32, #tpu.memory_space<vmem>>, %arg4: memref<256x256xf32, #tpu.memory_space<vmem>>) attributes {dimension_semantics = [#tpu.dimension_semantics<arbitrary>], iteration_bounds = array<i64: 8>, scalar_prefetch = 0 : i64, scratch_operands = 0 : i64, tpu.core_type = #tpu.core_type<tc>, window_params = [{transform_indices = @transform_0, window_bounds = array<i64: 256, 128>}, {transform_indices = @transform_1, window_bounds = array<i64: 256, 256>}, {transform_indices = @transform_2, window_bounds = array<i64: 256, 256>}, {transform_indices = @transform_3, window_bounds = array<i64: 256, 256>}]} {
    %iota3A = tpu.iota {dimensions = array<i32: 1>} : vector<256x128xi32>
    %get3A = arith.constant 0 : index
    %get3A_0 = arith.constant 0 : index
    %get3A_1 = vector.load %arg1[%get3A, %get3A_0] : memref<256x128xf32, #tpu.memory_space<vmem>>, vector<256x128xf32>
    %eq3A = arith.constant 0 : i32
    %eq3A_2 = vector.broadcast %eq3A : i32 to vector<256x128xi32>
    %eq3A_3 = arith.cmpi eq, %iota3A, %eq3A_2 : vector<256x128xi32>
    %jit3A = arith.constant 0.000000e+00 : f32
    %broadcast_in_dim3A = vector.broadcast %jit3A : f32 to vector<256x128xf32>
    %select_n3A = arith.select %eq3A_3, %get3A_1, %broadcast_in_dim3A : vector<256x128xi1>, vector<256x128xf32>
    %reduce_sum3A = arith.constant dense<0.000000e+00> : vector<256xf32>
    %reduce_sum3A_4 = vector.multi_reduction <add>, %select_n3A, %reduce_sum3A [1] : vector<256x128xf32> to vector<256xf32>
    %broadcast_in_dim3A_5 = vector.shape_cast %reduce_sum3A_4 : vector<256xf32> to vector<256x1xf32>
    %eq3A_6 = arith.constant 1 : i32
    %eq3A_7 = vector.broadcast %eq3A_6 : i32 to vector<256x128xi32>
    %eq3A_8 = arith.cmpi eq, %iota3A, %eq3A_7 : vector<256x128xi32>
    %jit3A_9 = arith.constant 0.000000e+00 : f32
    %broadcast_in_dim3A_10 = vector.broadcast %jit3A_9 : f32 to vector<256x128xf32>
    %select_n3A_11 = arith.select %eq3A_8, %get3A_1, %broadcast_in_dim3A_10 : vector<256x128xi1>, vector<256x128xf32>
    %reduce_sum3A_12 = arith.constant dense<0.000000e+00> : vector<256xf32>
    %reduce_sum3A_13 = vector.multi_reduction <add>, %select_n3A_11, %reduce_sum3A_12 [1] : vector<256x128xf32> to vector<256xf32>
    %broadcast_in_dim3A_14 = vector.shape_cast %reduce_sum3A_13 : vector<256xf32> to vector<256x1xf32>
    %get3A_15 = arith.constant 0 : index
    %get3A_16 = arith.constant 0 : index
    %get3A_17 = vector.load %arg2[%get3A_15, %get3A_16] : memref<256x256xf32, #tpu.memory_space<vmem>>, vector<256x256xf32>
    %mul3A = vector.broadcast %broadcast_in_dim3A_5 : vector<256x1xf32> to vector<256x256xf32>
    %mul3A_18 = arith.mulf %mul3A, %get3A_17 : vector<256x256xf32>
    %get3A_19 = arith.constant 0 : index
    %get3A_20 = arith.constant 0 : index
    %get3A_21 = vector.load %arg3[%get3A_19, %get3A_20] : memref<256x256xf32, #tpu.memory_space<vmem>>, vector<256x256xf32>
    %mul3A_22 = vector.broadcast %broadcast_in_dim3A_14 : vector<256x1xf32> to vector<256x256xf32>
    %mul3A_23 = arith.mulf %mul3A_22, %get3A_21 : vector<256x256xf32>
    %add3A = arith.addf %mul3A_18, %mul3A_23 : vector<256x256xf32>
    %swap3A = arith.constant 0 : index
    %swap3A_24 = arith.constant 0 : index
    %swap3A_25 = vector.load %arg4[%swap3A, %swap3A_24] : memref<256x256xf32, #tpu.memory_space<vmem>>, vector<256x256xf32>
    tpu.vector_store %arg4[%swap3A, %swap3A_24], %add3A {strides = array<i32>} : memref<256x256xf32, #tpu.memory_space<vmem>>, vector<256x256xf32>,
    return
  }
  func.func @transform_0(%arg0: i32) -> (i32, i32) {
    %c0_i32 = arith.constant 0 : i32
    %c0_i32_0 = arith.constant 0 : i32
    return %arg0, %c0_i32 : i32, i32
  }
  func.func @transform_1(%arg0: i32) -> (i32, i32) {
    %c0_i32 = arith.constant 0 : i32
    %c0_i32_0 = arith.constant 0 : i32
    return %arg0, %c0_i32 : i32, i32
  }
  func.func @transform_2(%arg0: i32) -> (i32, i32) {
    %c0_i32 = arith.constant 0 : i32
    %c0_i32_0 = arith.constant 0 : i32
    return %arg0, %c0_i32 : i32, i32
  }
  func.func @transform_3(%arg0: i32) -> (i32, i32) {
    %c0_i32 = arith.constant 0 : i32
    %c0_i32_0 = arith.constant 0 : i32
    return %arg0, %c0_i32 : i32, i32
  }
}

module attributes {stable_mosaic.version = 14 : i64} {
  func.func @_experts_body(%arg0: i32, %arg1: memref<32xi32, #tpu.memory_space<smem>>, %arg2: memref<32xi32, #tpu.memory_space<smem>>, %arg3: memref<256x1024xf32, #tpu.memory_space<vmem>>, %arg4: memref<1x1024x1024xf32, #tpu.memory_space<vmem>>, %arg5: memref<1x1x1024xf32, #tpu.memory_space<vmem>>, %arg6: memref<1x1024x512xf32, #tpu.memory_space<vmem>>, %arg7: memref<1x1x512xf32, #tpu.memory_space<vmem>>, %arg8: memref<1x512x256xf32, #tpu.memory_space<vmem>>, %arg9: memref<1x1x256xf32, #tpu.memory_space<vmem>>, %arg10: memref<256x256xf32, #tpu.memory_space<vmem>>) attributes {dimension_semantics = [#tpu.dimension_semantics<arbitrary>], iteration_bounds = array<i64: 24>, scalar_prefetch = 2 : i64, scratch_operands = 0 : i64, tpu.core_type = #tpu.core_type<tc>, window_params = [{transform_indices = @transform_0, window_bounds = array<i64: 256, 1024>}, {transform_indices = @transform_1, window_bounds = array<i64: 1, 1024, 1024>}, {transform_indices = @transform_2, window_bounds = array<i64: 1, 1, 1024>}, {transform_indices = @transform_3, window_bounds = array<i64: 1, 1024, 512>}, {transform_indices = @transform_4, window_bounds = array<i64: 1, 1, 512>}, {transform_indices = @transform_5, window_bounds = array<i64: 1, 512, 256>}, {transform_indices = @transform_6, window_bounds = array<i64: 1, 1, 256>}, {transform_indices = @transform_7, window_bounds = array<i64: 256, 256>}]} {
    %get3A = arith.index_cast %arg0 : i32 to index
    %get3A_0 = memref.load %arg2[%get3A] : memref<32xi32, #tpu.memory_space<smem>>
    %eq3A = arith.constant 1 : i32
    %eq3A_1 = arith.cmpi eq, %get3A_0, %eq3A : i32
    %convert_element_type3A = arith.extui %eq3A_1 : i1 to i32
    %cond3A = arith.constant 0 : i32
    %cond3A_2 = arith.cmpi ne, %convert_element_type3A, %cond3A : i32
    scf.if %cond3A_2 {
      %get3A_3 = arith.constant 0 : index
      %get3A_4 = arith.constant 0 : index
      %get3A_5 = vector.load %arg3[%get3A_3, %get3A_4] : memref<256x1024xf32, #tpu.memory_space<vmem>>, vector<256x1024xf32>
      %get3A_6 = arith.constant 0 : index
      %get3A_7 = arith.constant 0 : index
      %get3A_8 = arith.constant 0 : index
      %get3A_9 = vector.load %arg4[%get3A_6, %get3A_7, %get3A_8] : memref<1x1024x1024xf32, #tpu.memory_space<vmem>>, vector<1x1024x1024xf32>
      %get3A_10 = vector.shape_cast %get3A_9 : vector<1x1024x1024xf32> to vector<1024x1024xf32>
      %dot_general3A = arith.constant dense<0.000000e+00> : vector<256x1024xf32>
      %dot_general3A_11 = tpu.matmul %get3A_5, %get3A_10, %dot_general3A {dimension_numbers = #tpu.dot_dimension_numbers<[1], [0], [0], [1], [0, 0, 1, 1], [], []>, transpose_lhs_hint = false} : vector<256x1024xf32>, vector<1024x1024xf32>, vector<256x1024xf32> -> vector<256x1024xf32>
      %get3A_12 = arith.constant 0 : index
      %get3A_13 = arith.constant 0 : index
      %get3A_14 = arith.constant 0 : index
      %get3A_15 = vector.load %arg5[%get3A_12, %get3A_13, %get3A_14] : memref<1x1x1024xf32, #tpu.memory_space<vmem>>, vector<1x1x1024xf32>
      %get3A_16 = vector.shape_cast %get3A_15 : vector<1x1x1024xf32> to vector<1x1024xf32>
      %add3A = vector.broadcast %get3A_16 : vector<1x1024xf32> to vector<256x1024xf32>
      %add3A_17 = arith.addf %dot_general3A_11, %add3A : vector<256x1024xf32>
      %max3A = arith.constant 0.000000e+00 : f32
      %max3A_18 = vector.broadcast %max3A : f32 to vector<256x1024xf32>
      %max3A_19 = arith.maximumf %add3A_17, %max3A_18 : vector<256x1024xf32>
      %get3A_20 = arith.constant 0 : index
      %get3A_21 = arith.constant 0 : index
      %get3A_22 = arith.constant 0 : index
      %get3A_23 = vector.load %arg6[%get3A_20, %get3A_21, %get3A_22] : memref<1x1024x512xf32, #tpu.memory_space<vmem>>, vector<1x1024x512xf32>
      %get3A_24 = vector.shape_cast %get3A_23 : vector<1x1024x512xf32> to vector<1024x512xf32>
      %dot_general3A_25 = arith.constant dense<0.000000e+00> : vector<256x512xf32>
      %dot_general3A_26 = tpu.matmul %max3A_19, %get3A_24, %dot_general3A_25 {dimension_numbers = #tpu.dot_dimension_numbers<[1], [0], [0], [1], [0, 0, 1, 1], [], []>, transpose_lhs_hint = false} : vector<256x1024xf32>, vector<1024x512xf32>, vector<256x512xf32> -> vector<256x512xf32>
      %get3A_27 = arith.constant 0 : index
      %get3A_28 = arith.constant 0 : index
      %get3A_29 = arith.constant 0 : index
      %get3A_30 = vector.load %arg7[%get3A_27, %get3A_28, %get3A_29] : memref<1x1x512xf32, #tpu.memory_space<vmem>>, vector<1x1x512xf32>
      %get3A_31 = vector.shape_cast %get3A_30 : vector<1x1x512xf32> to vector<1x512xf32>
      %add3A_32 = vector.broadcast %get3A_31 : vector<1x512xf32> to vector<256x512xf32>
      %add3A_33 = arith.addf %dot_general3A_26, %add3A_32 : vector<256x512xf32>
      %max3A_34 = arith.constant 0.000000e+00 : f32
      %max3A_35 = vector.broadcast %max3A_34 : f32 to vector<256x512xf32>
      %max3A_36 = arith.maximumf %add3A_33, %max3A_35 : vector<256x512xf32>
      %get3A_37 = arith.constant 0 : index
      %get3A_38 = arith.constant 0 : index
      %get3A_39 = arith.constant 0 : index
      %get3A_40 = vector.load %arg8[%get3A_37, %get3A_38, %get3A_39] : memref<1x512x256xf32, #tpu.memory_space<vmem>>, vector<1x512x256xf32>
      %get3A_41 = vector.shape_cast %get3A_40 : vector<1x512x256xf32> to vector<512x256xf32>
      %dot_general3A_42 = arith.constant dense<0.000000e+00> : vector<256x256xf32>
      %dot_general3A_43 = tpu.matmul %max3A_36, %get3A_41, %dot_general3A_42 {dimension_numbers = #tpu.dot_dimension_numbers<[1], [0], [0], [1], [0, 0, 1, 1], [], []>, transpose_lhs_hint = false} : vector<256x512xf32>, vector<512x256xf32>, vector<256x256xf32> -> vector<256x256xf32>
      %get3A_44 = arith.constant 0 : index
      %get3A_45 = arith.constant 0 : index
      %get3A_46 = arith.constant 0 : index
      %get3A_47 = vector.load %arg9[%get3A_44, %get3A_45, %get3A_46] : memref<1x1x256xf32, #tpu.memory_space<vmem>>, vector<1x1x256xf32>
      %get3A_48 = vector.shape_cast %get3A_47 : vector<1x1x256xf32> to vector<1x256xf32>
      %add3A_49 = vector.broadcast %get3A_48 : vector<1x256xf32> to vector<256x256xf32>
      %add3A_50 = arith.addf %dot_general3A_43, %add3A_49 : vector<256x256xf32>
      %swap3A = arith.constant 0 : index
      %swap3A_51 = arith.constant 0 : index
      %swap3A_52 = vector.load %arg10[%swap3A, %swap3A_51] : memref<256x256xf32, #tpu.memory_space<vmem>>, vector<256x256xf32>
      tpu.vector_store %arg10[%swap3A, %swap3A_51], %add3A_50 {strides = array<i32>} : memref<256x256xf32, #tpu.memory_space<vmem>>, vector<256x256xf32>,
    } else {
    }
    return
  }
  func.func @transform_0(%arg0: i32, %arg1: memref<32xi32, #tpu.memory_space<smem>>, %arg2: memref<32xi32, #tpu.memory_space<smem>>) -> (i32, i32) {
    %c0_i32 = arith.constant 0 : i32
    %c0_i32_0 = arith.constant 0 : i32
    return %arg0, %c0_i32 : i32, i32
  }
  func.func @transform_1(%arg0: i32, %arg1: memref<32xi32, #tpu.memory_space<smem>>, %arg2: memref<32xi32, #tpu.memory_space<smem>>) -> (i32, i32, i32) {
    %get3A = arith.index_cast %arg0 : i32 to index
    %get3A_0 = memref.load %arg1[%get3A] : memref<32xi32, #tpu.memory_space<smem>>
    %c0_i32 = arith.constant 0 : i32
    %c0_i32_1 = arith.constant 0 : i32
    %c0_i32_2 = arith.constant 0 : i32
    return %get3A_0, %c0_i32, %c0_i32_1 : i32, i32, i32
  }
  func.func @transform_2(%arg0: i32, %arg1: memref<32xi32, #tpu.memory_space<smem>>, %arg2: memref<32xi32, #tpu.memory_space<smem>>) -> (i32, i32, i32) {
    %get3A = arith.index_cast %arg0 : i32 to index
    %get3A_0 = memref.load %arg1[%get3A] : memref<32xi32, #tpu.memory_space<smem>>
    %c0_i32 = arith.constant 0 : i32
    %c0_i32_1 = arith.constant 0 : i32
    %c0_i32_2 = arith.constant 0 : i32
    return %get3A_0, %c0_i32, %c0_i32_1 : i32, i32, i32
  }
  func.func @transform_3(%arg0: i32, %arg1: memref<32xi32, #tpu.memory_space<smem>>, %arg2: memref<32xi32, #tpu.memory_space<smem>>) -> (i32, i32, i32) {
    %get3A = arith.index_cast %arg0 : i32 to index
    %get3A_0 = memref.load %arg1[%get3A] : memref<32xi32, #tpu.memory_space<smem>>
    %c0_i32 = arith.constant 0 : i32
    %c0_i32_1 = arith.constant 0 : i32
    %c0_i32_2 = arith.constant 0 : i32
    return %get3A_0, %c0_i32, %c0_i32_1 : i32, i32, i32
  }
  func.func @transform_4(%arg0: i32, %arg1: memref<32xi32, #tpu.memory_space<smem>>, %arg2: memref<32xi32, #tpu.memory_space<smem>>) -> (i32, i32, i32) {
    %get3A = arith.index_cast %arg0 : i32 to index
    %get3A_0 = memref.load %arg1[%get3A] : memref<32xi32, #tpu.memory_space<smem>>
    %c0_i32 = arith.constant 0 : i32
    %c0_i32_1 = arith.constant 0 : i32
    %c0_i32_2 = arith.constant 0 : i32
    return %get3A_0, %c0_i32, %c0_i32_1 : i32, i32, i32
  }
  func.func @transform_5(%arg0: i32, %arg1: memref<32xi32, #tpu.memory_space<smem>>, %arg2: memref<32xi32, #tpu.memory_space<smem>>) -> (i32, i32, i32) {
    %get3A = arith.index_cast %arg0 : i32 to index
    %get3A_0 = memref.load %arg1[%get3A] : memref<32xi32, #tpu.memory_space<smem>>
    %c0_i32 = arith.constant 0 : i32
    %c0_i32_1 = arith.constant 0 : i32
    %c0_i32_2 = arith.constant 0 : i32
    return %get3A_0, %c0_i32, %c0_i32_1 : i32, i32, i32
  }
  func.func @transform_6(%arg0: i32, %arg1: memref<32xi32, #tpu.memory_space<smem>>, %arg2: memref<32xi32, #tpu.memory_space<smem>>) -> (i32, i32, i32) {
    %get3A = arith.index_cast %arg0 : i32 to index
    %get3A_0 = memref.load %arg1[%get3A] : memref<32xi32, #tpu.memory_space<smem>>
    %c0_i32 = arith.constant 0 : i32
    %c0_i32_1 = arith.constant 0 : i32
    %c0_i32_2 = arith.constant 0 : i32
    return %get3A_0, %c0_i32, %c0_i32_1 : i32, i32, i32
  }
  func.func @transform_7(%arg0: i32, %arg1: memref<32xi32, #tpu.memory_space<smem>>, %arg2: memref<32xi32, #tpu.memory_space<smem>>) -> (i32, i32) {
    %c0_i32 = arith.constant 0 : i32
    %c0_i32_0 = arith.constant 0 : i32
    return %arg0, %c0_i32 : i32, i32
  }
}

</mosaic_0001>

<sc_bundles>
// kernel: kernel.10.cloned.1.call-start
scs
__scs_entry_jumppad:
0x0: {  	(pc) =	sbr.rel $0x88, $3  }
0x1: {  	(tag) =	ssettag $0x0;
	lr =	simm.s32 $0x1  }
0x2: {  	[smem:$0x3F94] =	sst lr;
	_ =	strace $0xD0000000  }
0x3: {  	_ = 	snop  }
0x4: {  	_ = 	snop  }
0x5: {  	_ = 	snop  }
0x6: {  	_ = 	snop  }
0x7: {  	_ = 	snop  }
__scs_overlays_trampoline_lowered:
0x8: {  	[smem:$0x3FA3] =	sst s0  }
0x9: {  	[smem:$0x3FA4] =	sst s1  }
0xa: {  	[smem:$0x3FA5] =	sst s2  }
0xb: {  	[smem:$0x3FA6] =	sst s3  }
0xc: {  	[smem:$0x3FA7] =	sst s4  }
0xd: {  	[smem:$0x3FA8] =	sst s5  }
0xe: {  	[smem:$0x3FA9] =	sst s6  }
0xf: {  	[smem:$0x3FAA] =	sst s7  }
0x10: {  	[smem:$0x3FAB] =	sst s8  }
0x11: {  	[smem:$0x3FAC] =	sst s9;
	s0 =	simm.s32 @!p0 $0x0  }
0x12: {  	s1 =	sld [smem:$0x3F92];
	s0 =	simm.s32 @p0 $0x1  }
0x13: {  	[smem:$0x3FAD] =	sst s0;
	s0 =	simm.s32 @!p1 $0x0  }
0x14: {  	s2 =	sld [smem:$0x3F91];
	s0 =	simm.s32 @p1 $0x1  }
0x15: {  	[smem:$0x3FAE] =	sst s0;
	s0 =	simm.s32 @!p2 $0x0  }
0x16: {  	s3 =	sld [smem:$0x3FDB];
	s0 =	simm.s32 @p2 $0x1  }
0x17: {  	s4 =	simm.s32 $0x1BF5;
	[smem:$0x3FB0] =	sst s0  }
0x18: {  	s0 =	sld [smem:$0x3F93];
	_ =	swait.ge [sflag:s4], $0x0  }
0x19: {  	s7 =	sld [smem:$0x3F94]  }
0x1a: {  	s8 =	sadd.s32 $0xFFFFE003, lr  }
0x1b: {  	s9 =	sadd.s32 $0xFFFFFEF7, lr;
	s5 =	simm.s32 $0xFFFFFFFF;
	p2 =	slt.u32 s8, $0xFFFFF086  }
0x1c: {  	p1 =	slt.u32 s9, $0xF7A;
	s5 =	simm.s32 @!p2 $0x0  }
0x1d: {  	s5 =	simm.s32 @p1 $0x1;
	p0 =	seq.s32 s7, s2  }
0x1e: {  	s7 =	smul.u32 @!p0 $0xF7A, s2;
	p2 =	seq.s32 @!p0 s5, $0x0  }
0x1f: {  	s9 =	smul.u32 $0xF7A, s1;
	s8 =	simm.s32 @!p0 $0x1BF5;
	p2 =	por !p2, p0  }
0x20: {  	[sflag:s8] =	ssyncset.s32 @!p0 $0xFFFFF086;
	s6 =	sadd.s32 @!p0 s3, s7;
	s7 =	simm.s32 @!p0 $0x108  }
0x21: {  	s3 =	sadd.s32 s3, s9;
	s6 =	sadd.s32 @!p0 $0x88, s6;
	s7 =	simm.s32 @p2 $0x1082  }
0x22: {  	[simem:s7], [sflag:s8] =	dma.local @!p0 [hbm:s6], $0xF7A  }
0x23: {  	s9 =	sor.u32 $0xD0000000, s2;
	s6 =	simm.s32 $0x108;
	_ =	swait.ge @!p0 [sflag:s8], $0x0  }
0x24: {  	s3 =	sadd.s32 $0x88, s3;
	s6 =	simm.s32 @!p1 $0x1082;
	[sflag:s4] =	ssyncset.s32 $0xFFFFF086  }
0x25: {  	[simem:s6], [sflag:s4] =	dma.local [hbm:s3], $0xF7A  }
0x26: {  	[smem:$0x3F94] =	sst s1;
	(tag) =	ssettag s2;
	_ =	strace s9  }
0x27: {  	s1 =	sld [smem:$0x3FA4]  }
0x28: {  	s2 =	sld [smem:$0x3FA5]  }
0x29: {  	s4 =	sld [smem:$0x3FA7]  }
0x2a: {  	p0 =	seq.s32 s5, $0x0;
	s5 =	sld [smem:$0x3FA8]  }
0x2b: {  	s6 =	sld [smem:$0x3FA9]  }
0x2c: {  	s7 =	sld [smem:$0x3FAA]  }
0x2d: {  	s3 =	simm.s32 $0x108;
	s8 =	sld [smem:$0x3FAB]  }
0x2e: {  	s3 =	simm.s32 @!p0 $0x1082;
	s9 =	sld [smem:$0x3FAC]  }
0x2f: {  	lr =	sadd.s32 s0, s3;
	s0 =	sld [smem:$0x3FA3]  }
0x30: {  	s3 =	sld [smem:$0x3FA6]  }
0x31: {  	[smem:$0x3FAF] =	sst s10  }
0x32: {  	s10 =	sld [smem:$0x3FAD];
	_ =	sdelay $0x3  }
0x33: {  	p0 =	seq.s32 s10, $0x1;
	s10 =	sld [smem:$0x3FAF];
	_ =	sdelay $0x3  }
0x34: {  	[smem:$0x3FAF] =	sst s10  }
0x35: {  	s10 =	sld [smem:$0x3FAE];
	_ =	sdelay $0x3  }
0x36: {  	p1 =	seq.s32 s10, $0x1;
	s10 =	sld [smem:$0x3FAF];
	_ =	sdelay $0x3  }
0x37: {  	[smem:$0x3FAF] =	sst s10  }
0x38: {  	s10 =	sld [smem:$0x3FB0]  }
0x39: {  	_ = 	snop;
	(pc) =	sbr.ind lr, $3  }
0x3a: {  	_ = 	snop  }
0x3b: {  	_ = 	snop  }
0x3c: {  	p2 =	seq.s32 s10, $0x1;
	s10 =	sld [smem:$0x3FAF]  }
0x3d: {  	_ =	shalt  }
0x3e: {  	_ =	shalt  }
0x3f: {  	_ =	shalt  }
0x40: {  	_ =	shalt  }
0x41: {  	_ =	shalt  }
0x42: {  	_ =	shalt  }
0x43: {  	_ =	shalt  }
0x44: {  	_ =	shalt  }
0x45: {  	_ =	shalt  }
0x46: {  	_ =	shalt  }
0x47: {  	_ =	shalt  }
0x48: {  	_ =	shalt  }
0x49: {  	_ =	shalt  }
0x4a: {  	_ =	shalt  }
0x4b: {  	_ =	shalt  }
0x4c: {  	_ =	shalt  }
0x4d: {  	_ =	shalt  }
0x4e: {  	_ =	shalt  }
0x4f: {  	_ =	shalt  }
0x50: {  	_ =	shalt  }
0x51: {  	_ =	shalt  }
0x52: {  	_ =	shalt  }
0x53: {  	_ =	shalt  }
0x54: {  	_ =	shalt  }
0x55: {  	_ =	shalt  }
0x56: {  	_ =	shalt  }
0x57: {  	_ =	shalt  }
0x58: {  	_ =	shalt  }
0x59: {  	_ =	shalt  }
0x5a: {  	_ =	shalt  }
0x5b: {  	_ =	shalt  }
0x5c: {  	_ =	shalt  }
0x5d: {  	_ =	shalt  }
0x5e: {  	_ =	shalt  }
0x5f: {  	_ =	shalt  }
0x60: {  	_ =	shalt  }
0x61: {  	_ =	shalt  }
0x62: {  	_ =	shalt  }
0x63: {  	_ =	shalt  }
0x64: {  	_ =	shalt  }
0x65: {  	_ =	shalt  }
0x66: {  	_ =	shalt  }
0x67: {  	_ =	shalt  }
0x68: {  	_ =	shalt  }
0x69: {  	_ =	shalt  }
0x6a: {  	_ =	shalt  }
0x6b: {  	_ =	shalt  }
0x6c: {  	_ =	shalt  }
0x6d: {  	_ =	shalt  }
0x6e: {  	_ =	shalt  }
0x6f: {  	_ =	shalt  }
0x70: {  	_ =	shalt  }
0x71: {  	_ =	shalt  }
0x72: {  	_ =	shalt  }
0x73: {  	_ =	shalt  }
0x74: {  	_ =	shalt  }
0x75: {  	_ =	shalt  }
0x76: {  	_ =	shalt  }
0x77: {  	_ =	shalt  }
0x78: {  	_ =	shalt  }
0x79: {  	_ =	shalt  }
0x7a: {  	_ =	shalt  }
0x7b: {  	_ =	shalt  }
0x7c: {  	_ =	shalt  }
0x7d: {  	_ =	shalt  }
0x7e: {  	_ =	shalt  }
0x7f: {  	_ =	shalt  }
0x80: {  	_ =	shalt  }
0x81: {  	_ =	shalt  }
0x82: {  	_ =	shalt  }
0x83: {  	_ =	shalt  }
0x84: {  	_ =	shalt  }
0x85: {  	_ =	shalt  }
0x86: {  	_ =	shalt  }
0x87: {  	_ =	shalt  }
.Lfunc_end0:
.L_simem_size_0:
called_computation.1_lowered:
.L_overlay_start_0:
0x88: {  	s2 =	sld [smem:$0x3FD9]  }
0x89: {  	s3 =	sld [smem:$0x3FFE];
	_ =	sdelay $0x1  }
0x8a: {  	s1 =	srdreg.scid  }
0x8b: {  	s0 =	sand.u32 $0x1, s1  }
0x8c: {  	s14 =	sshll.u32 s0, $0xA;
	s2 =	sadd.s32 s3, s2  }
0x8d: {  	s2 =	sadd.s32 s2, s14  }
0x8e: {  	[smem:$0x3FBB] =	sst s2  }
0x8f: {  	_ = 	snop  }
0x90: {  	s2 =	sld [smem:$0x3FD0];
	_ =	sdelay $0x2  }
0x91: {  	s15 =	simm.s32 $0xA;
	s4 =	simm.s32 $0x10  }
0x92: {  	[smem:s4], [sflag:s15] =	dma.local [hbm:s2], $0x1  }
0x93: {  	_ =	swait.eq [sflag:s15], $0x1  }
0x94: {  	[sflag:s15] =	ssyncset.done $0x0  }
0x95: {  	[sflag:s15] =	ssyncadd.s32 $0xFFFFFFFF  }
0x96: {  	s16 =	sld [smem:$0x10];
	(tm) =	ssettm $0x1  }
0x97: {  	s17 =	sld [smem:$0x3FFB];
	_ =	sdelay $0x3  }
0x98: {  	_ =	strace s17  }
0x99: {  	s3 =	sld [smem:$0x3FFC];
	_ =	sdelay $0x3  }
0x9a: {  	_ =	strace s3  }
0x9b: {  	s3 =	sld [smem:$0x3FFD];
	_ =	sdelay $0x3  }
0x9c: {  	_ =	strace s3  }
0x9d: {  	_ =	strace $0x8FFFFFFF  }
0x9e: {  	s18 =	sld [smem:$0x3FDB];
	_ =	sdelay $0x1  }
0x9f: {  	s19 =	simm.s32 $_scs_section_size  }
0xa0: {  	s5 =	simm.s32 $_size__tile_overlayer_lowered;
	s6 =	simm.s32 $_tile_overlayer_lowered  }
0xa1: {  	s22 =	simm.s32 $0x1BFF;
	s21 =	sshll.u32 s6, $0x1;
	s3 =	sadd.s32 s19, s18  }
0xa2: {  	s7 =	simm.s32 $0x0;
	s20 =	sshll.u32 s5, $0x1;
	s5 =	sadd.s32 s21, s3  }
0xa3: {  	[timem:s7], [sflag:s22] =	dma.local [hbm:s5], s20  }
0xa4: {  	_ =	swait.ge [sflag:s22], s20  }
0xa5: {  	s4 =	ssub.s32 $0x0, s20;
	[sflag:s22] =	ssyncset.done $0x0  }
0xa6: {  	[sflag:s22] =	ssyncadd.s32 s4;
	_ =	sdelay $0x1  }
0xa7: {  	s23 =	simm.s32 $0x1B8B  }
0xa8: {  	_ =	swait.ge [sflag:s23], $0x1  }
0xa9: {  	[sflag:s23] =	ssyncset.done $0x0  }
0xaa: {  	s25 =	simm.s32 $0x1B8E;
	s24 =	sld [smem:$0x3FFE];
	[sflag:s23] =	ssyncadd.s32 $0xFFFFFFFF  }
0xab: {  	s26 =	simm.s32 $execute0_lowered;
	[smem:$0x3FD2] =	sst s25  }
0xac: {  	s5 =	sshll.u32 s26, $0x1;
	_ =	strace $0x80000049;
	[dreg:$0x1] =	wrdreg $0xFFFFFFFF  }
0xad: {  	s28 =	simm.s32 $_size_execute0_lowered;
	s3 =	sadd.s32 s3, s5;
	[dreg:$0x0] =	wrdreg $0x0  }
0xae: {  	s5 =	sshll.u32 s28, $0x1;
	[dreg:$0x2] =	wrdreg s3  }
0xaf: {  	[dreg:$0x3] =	wrdreg s5  }
0xb0: {  	[dreg:$0x4] =	wrdreg $0xC0  }
0xb1: {  	_ =	task [dreg:s7], $0x5FFFF  }
0xb2: {  	[dreg:$0x1] =	wrdreg $0xFFFFFFFF  }
0xb3: {  	[dreg:$0x0] =	wrdreg $0x60  }
0xb4: {  	[dreg:$0x2] =	wrdreg s24  }
0xb5: {  	[dreg:$0x3] =	wrdreg s16  }
0xb6: {  	[dreg:$0x4] =	wrdreg $0x9  }
0xb7: {  	_ =	task.clear_ibuf [dreg:s7], $0x5FFFF;
	_ =	strace $0x90000049  }
0xb8: {  	s29 =	simm.s32 $0x9;
	_ =	strace $0x8000004B  }
0xb9: {  	_ =	swait.ge [sflag:s29], $0x1  }
0xba: {  	[sflag:s29] =	ssyncadd.s32 $0xFFFFFFFF  }
0xbb: {  	_ =	strace $0x9000004B  }
0xbc: {  	_ =	sfence  }
0xbd: {  	s30 =	sld [smem:$0x0];
	_ =	sdelay $0x2  }
0xbe: {  	s31 =	sshll.u32 s1, $0xD;
	s1 =	sshrl.u32 s1, $0x2  }
0xbf: {  	s3 =	sand.u32 $0x4000, s31;
	s1 =	sadd.s32 s1, s30  }
0xc0: {  	s0 =	sor.u32 s3, s0;
	s1 =	sshll.u32 s1, $0x11  }
0xc1: {  	s0 =	sor.u32 s1, s0  }
0xc2: {  	s0 =	sadd.s32 $0x8F2B, s0  }
0xc3: {  	[sflag:s0] =	ssyncadd.remote.s32 $0x1  }
0xc4: {  	_ =	sfence.sel $0xFFFF  }
0xc5: {  	[dreg:$0x0] =	wrdreg $0xFFFFFFFF;
	(pc) =	sbr.abs _section_cstart, $3  }
0xc6: {  	[dreg:$0x1] =	wrdreg $0xFFFFFFFF  }
0xc7: {  	_ =	task.clear_ibuf [dreg:s7], $0x2FFFF;
	_ =	strace $0x9FFFFFFF  }
0xc8: {  	(tm) =	ssettm $0x7FFFFFFF  }
0xc9: {  	_ =	shalt  }
tec
execute0_lowered:
.L_overlay_start_1:
0x0: {  	(tag) =	ssettag $0x1  }
0x1: {  	s4 =	rddreg [dreg:$0x0]  }
0x2: {  	s6 =	rddreg [dreg:$0x1];
	s2 =	srdreg.scid  }
0x3: {  	s0 =	rddreg [dreg:$0x2];
	s1 =	stileid.u32  }
0x4: {  	s11 =	simm.s32 $0x100;
	s12 =	simm.s32 $0x900;
	s13 =	simm.s32 $0x1100  }
0x5: {  	s14 =	simm.s32 $0x1900;
	s15 =	simm.s32 $0x2100;
	s16 =	simm.s32 $0x2900  }
0x6: {  	s17 =	simm.s32 $0x3100;
	s18 =	simm.s32 $0x3900;
	s19 =	simm.s32 $0x4100  }
0x7: {  	s20 =	simm.s32 $0x4900;
	s21 =	simm.s32 $0x5100;
	s22 =	simm.s32 $0x5900  }
0x8: {  	s23 =	simm.s32 $0x6100;
	s24 =	simm.s32 $0x6900;
	s25 =	simm.s32 $0x7100  }
0x9: {  	s28 =	simm.s32 $0x1;
	s29 =	simm.s32 $0x2;
	s30 =	simm.s32 $0x3  }
0xa: {  	s31 =	simm.s32 $0x4;
	s3 =	sand.u32 $0x1, s2;
	s2 =	simm.s32 $0x0  }
0xb: {  	s5 =	sshll.u32 s1, $0x7;
	s7 =	sshll.u32 s3, $0x6;
	[smem:$0x7FF] =	sst s2  }
0xc: {  	s8 =	ssub.s32 $0x2, s3;
	s3 =	sadd.s32 $0x2E00, s4;
	s5 =	sor.u32 s7, s5  }
0xd: {  	_ =	strace $0x8000004A;
	s26 =	sshrl.u32 s8, $0x1;
	s7 =	sshrl.u32 s5, $0x3  }
0xe: {  	s9 =	sshll.u32 s5, $0x5;
	s8 =	ssub.s32 s8, s26;
	s26 =	simm.s32 $0x7900  }
0xf: {  	v2 =	vlaneseq.u32;
	s7 =	sadd.s32 s7, s4;
	s10 =	sadd.s32 s9, s4;
	s6 =	sadd.s32 s6, s9  }
0x10: {  	vm0 =	vmmov $0xffff;
	v1 =	vshrl.u32 v2, $0x3;
	s8 =	smax.u32 s8, $0x1;
	s9 =	simm.s32 $0x5;
	s4 =	sadd.s32 $0xC2E00, s7  }
0x11: {  	v0 =	vand.u32 $0x7, v2;
	v2 =	vor.u32 $0x8, v2;
	v1 =	vmul.u32 $0x8, v1;
	s5 =	sadd.s32 $0xC3000, s7;
	s7 =	sadd.s32 $0x32E00, s10;
	s10 =	simm.s32 $0x80  }
.LBB2_1:
0x12: {  	[tilespmem:s2], [sflag:$0x5] =	stream.linear.gather [hbm4b:s4+s2], $0x40, $0x38;
	[tilespmem:$0x8100] =	vst v63  }
0x13: {  	_ =	swait.ge [sflag:s9], $0x40  }
0x14: {  	[sflag:s9] =	ssyncset.done $0x0  }
0x15: {  	[sflag:s9] =	ssyncadd.s32 $0xFFFFFFC0  }
0x16: {  	[tilespmem:s10], [sflag:$0x5] =	stream.linear.gather [hbm4b:s5+s2], $0x40, $0x38;
	[tilespmem:$0x8100] =	vst v63  }
0x17: {  	_ =	swait.ge [sflag:s9], $0x40  }
0x18: {  	[sflag:s9] =	ssyncset.done $0x0  }
0x19: {  	[sflag:s9] =	ssyncadd.s32 $0xFFFFFFC0  }
0x1a: {  	v3 =	vld [tilespmem:$0x0];
	_ =	sdelay $0x4  }
0x1b: {  	v4 =	vshll.u32 v3, $0x1  }
0x1c: {  	v3 =	vand.u32 $0x7, v3;
	v4 =	vand.u32 $0xFFFFFFF0, v4  }
0x1d: {  	v3 =	vor.u32 v3, v4  }
0x1e: {  	v4 =	vperm.xlane v3, v0;
	_ =	sdelay $0x1  }
0x1f: {  	v3 =	vperm.xlane v3, v2;
	v4 =	vadd.s32 v1, v4;
	_ =	sdelay $0x1  }
0x20: {  	v3 =	vadd.s32 v1, v3;
	_ =	sdelay $0x2  }
0x21: {  	[tilespmem:s11], [sflag:$0x1] =	stream.indirect_vreg.gather [hbm4b:s3+s2], $0x80, v4, vm0, $0xb8;
	[tilespmem:$0x8100] =	vst v63  }
0x22: {  	_ = 	snop  }
0x23: {  	[tilespmem:s12], [sflag:$0x1] =	stream.indirect_vreg.gather [hbm4b:s3+s2], $0x80, v3, vm0, $0xb8;
	[tilespmem:$0x8100] =	vst v63  }
0x24: {  	v3 =	vld [tilespmem:$0x10];
	_ =	sdelay $0x4  }
0x25: {  	v57 =	vshll.u32 v3, $0x1  }
0x26: {  	v3 =	vand.u32 $0x7, v3;
	v4 =	vand.u32 $0xFFFFFFF0, v57  }
0x27: {  	v3 =	vor.u32 v3, v4  }
0x28: {  	v4 =	vperm.xlane v3, v0;
	_ =	sdelay $0x1  }
0x29: {  	v3 =	vperm.xlane v3, v2;
	v4 =	vadd.s32 v1, v4;
	_ =	sdelay $0x1  }
0x2a: {  	v3 =	vadd.s32 v1, v3;
	_ =	sdelay $0x2  }
0x2b: {  	[tilespmem:s13], [sflag:$0x1] =	stream.indirect_vreg.gather [hbm4b:s3+s2], $0x80, v4, vm0, $0xb8;
	[tilespmem:$0x8100] =	vst v63  }
0x2c: {  	_ = 	snop  }
0x2d: {  	[tilespmem:s14], [sflag:$0x1] =	stream.indirect_vreg.gather [hbm4b:s3+s2], $0x80, v3, vm0, $0xb8;
	[tilespmem:$0x8100] =	vst v63  }
0x2e: {  	v3 =	vld [tilespmem:$0x20];
	_ =	sdelay $0x4  }
0x2f: {  	v58 =	vshll.u32 v3, $0x1  }
0x30: {  	v3 =	vand.u32 $0x7, v3;
	v4 =	vand.u32 $0xFFFFFFF0, v58  }
0x31: {  	v3 =	vor.u32 v3, v4  }
0x32: {  	v4 =	vperm.xlane v3, v0;
	_ =	sdelay $0x1  }
0x33: {  	v3 =	vperm.xlane v3, v2;
	v4 =	vadd.s32 v1, v4;
	_ =	sdelay $0x1  }
0x34: {  	v3 =	vadd.s32 v1, v3;
	_ =	sdelay $0x2  }
0x35: {  	[tilespmem:s15], [sflag:$0x1] =	stream.indirect_vreg.gather [hbm4b:s3+s2], $0x80, v4, vm0, $0xb8;
	[tilespmem:$0x8100] =	vst v63  }
0x36: {  	_ = 	snop  }
0x37: {  	[tilespmem:s16], [sflag:$0x1] =	stream.indirect_vreg.gather [hbm4b:s3+s2], $0x80, v3, vm0, $0xb8;
	[tilespmem:$0x8100] =	vst v63  }
0x38: {  	v3 =	vld [tilespmem:$0x30];
	_ =	sdelay $0x4  }
0x39: {  	v59 =	vshll.u32 v3, $0x1  }
0x3a: {  	v3 =	vand.u32 $0x7, v3;
	v4 =	vand.u32 $0xFFFFFFF0, v59  }
0x3b: {  	v3 =	vor.u32 v3, v4  }
0x3c: {  	v4 =	vperm.xlane v3, v0;
	_ =	sdelay $0x1  }
0x3d: {  	v3 =	vperm.xlane v3, v2;
	v4 =	vadd.s32 v1, v4;
	_ =	sdelay $0x1  }
0x3e: {  	v3 =	vadd.s32 v1, v3;
	_ =	sdelay $0x2  }
0x3f: {  	[tilespmem:s17], [sflag:$0x1] =	stream.indirect_vreg.gather [hbm4b:s3+s2], $0x80, v4, vm0, $0xb8;
	[tilespmem:$0x8100] =	vst v63  }
0x40: {  	_ = 	snop  }
0x41: {  	[tilespmem:s18], [sflag:$0x1] =	stream.indirect_vreg.gather [hbm4b:s3+s2], $0x80, v3, vm0, $0xb8;
	[tilespmem:$0x8100] =	vst v63  }
0x42: {  	v3 =	vld [tilespmem:$0x80];
	_ =	sdelay $0x4  }
0x43: {  	v60 =	vshll.u32 v3, $0x1  }
0x44: {  	v3 =	vand.u32 $0x7, v3;
	v4 =	vand.u32 $0xFFFFFFF0, v60  }
0x45: {  	v3 =	vor.u32 v3, v4  }
0x46: {  	v4 =	vperm.xlane v3, v0;
	_ =	sdelay $0x1  }
0x47: {  	v3 =	vperm.xlane v3, v2;
	v4 =	vadd.s32 v1, v4;
	_ =	sdelay $0x1  }
0x48: {  	v3 =	vadd.s32 v1, v3;
	_ =	sdelay $0x2  }
0x49: {  	[tilespmem:s19], [sflag:$0x2] =	stream.indirect_vreg.gather [hbm4b:s3+s2], $0x80, v4, vm0, $0xb8;
	[tilespmem:$0x8100] =	vst v63  }
0x4a: {  	_ = 	snop  }
0x4b: {  	[tilespmem:s20], [sflag:$0x2] =	stream.indirect_vreg.gather [hbm4b:s3+s2], $0x80, v3, vm0, $0xb8;
	[tilespmem:$0x8100] =	vst v63  }
0x4c: {  	v3 =	vld [tilespmem:$0x90];
	_ =	sdelay $0x4  }
0x4d: {  	v61 =	vshll.u32 v3, $0x1  }
0x4e: {  	v3 =	vand.u32 $0x7, v3;
	v4 =	vand.u32 $0xFFFFFFF0, v61  }
0x4f: {  	v3 =	vor.u32 v3, v4  }
0x50: {  	v4 =	vperm.xlane v3, v0;
	_ =	sdelay $0x1  }
0x51: {  	v3 =	vperm.xlane v3, v2;
	v4 =	vadd.s32 v1, v4;
	_ =	sdelay $0x1  }
0x52: {  	v3 =	vadd.s32 v1, v3;
	_ =	sdelay $0x2  }
0x53: {  	[tilespmem:s21], [sflag:$0x2] =	stream.indirect_vreg.gather [hbm4b:s3+s2], $0x80, v4, vm0, $0xb8;
	[tilespmem:$0x8100] =	vst v63  }
0x54: {  	_ = 	snop  }
0x55: {  	[tilespmem:s22], [sflag:$0x2] =	stream.indirect_vreg.gather [hbm4b:s3+s2], $0x80, v3, vm0, $0xb8;
	[tilespmem:$0x8100] =	vst v63  }
0x56: {  	v3 =	vld [tilespmem:$0xA0];
	_ =	sdelay $0x4  }
0x57: {  	v62 =	vshll.u32 v3, $0x1  }
0x58: {  	v3 =	vand.u32 $0x7, v3;
	v4 =	vand.u32 $0xFFFFFFF0, v62  }
0x59: {  	v3 =	vor.u32 v3, v4  }
0x5a: {  	v4 =	vperm.xlane v3, v0;
	_ =	sdelay $0x1  }
0x5b: {  	v3 =	vperm.xlane v3, v2;
	v4 =	vadd.s32 v1, v4;
	_ =	sdelay $0x1  }
0x5c: {  	v3 =	vadd.s32 v1, v3;
	_ =	sdelay $0x2  }
0x5d: {  	[tilespmem:s23], [sflag:$0x2] =	stream.indirect_vreg.gather [hbm4b:s3+s2], $0x80, v4, vm0, $0xb8;
	[tilespmem:$0x8100] =	vst v63  }
0x5e: {  	_ = 	snop  }
0x5f: {  	[tilespmem:s24], [sflag:$0x2] =	stream.indirect_vreg.gather [hbm4b:s3+s2], $0x80, v3, vm0, $0xb8;
	[tilespmem:$0x8100] =	vst v63  }
0x60: {  	v3 =	vld [tilespmem:$0xB0];
	_ =	sdelay $0x4  }
0x61: {  	v63 =	vshll.u32 v3, $0x1  }
0x62: {  	v3 =	vand.u32 $0x7, v3;
	v4 =	vand.u32 $0xFFFFFFF0, v63  }
0x63: {  	v3 =	vor.u32 v3, v4  }
0x64: {  	v4 =	vperm.xlane v3, v0;
	_ =	sdelay $0x1  }
0x65: {  	v3 =	vperm.xlane v3, v2;
	v4 =	vadd.s32 v1, v4;
	_ =	sdelay $0x1  }
0x66: {  	v3 =	vadd.s32 v1, v3;
	_ =	sdelay $0x2  }
0x67: {  	[tilespmem:s25], [sflag:$0x2] =	stream.indirect_vreg.gather [hbm4b:s3+s2], $0x80, v4, vm0, $0xb8;
	[tilespmem:$0x8100] =	vst v63  }
0x68: {  	_ = 	snop  }
0x69: {  	[tilespmem:s26], [sflag:$0x2] =	stream.indirect_vreg.gather [hbm4b:s3+s2], $0x80, v3, vm0, $0xb8;
	[tilespmem:$0x8100] =	vst v63  }
0x6a: {  	_ =	swait.ge [sflag:s28], $0x4000  }
0x6b: {  	[sflag:s28] =	ssyncset.done $0x0  }
0x6c: {  	[sflag:s28] =	ssyncadd.s32 $0xFFFFC000  }
0x6d: {  	[hbm4b:s6+s2] =	stream.linear.scatter [tilespmem:s11], [sflag:$0x3], $0x4000, $0x38;
	[tilespmem:$0x8100] =	vst v63  }
0x6e: {  	_ =	swait.ge [sflag:s29], $0x4000  }
0x6f: {  	[sflag:s29] =	ssyncset.done $0x0  }
0x70: {  	[sflag:s29] =	ssyncadd.s32 $0xFFFFC000  }
0x71: {  	[hbm4b:s7+s2] =	stream.linear.scatter [tilespmem:s19], [sflag:$0x4], $0x4000, $0x38;
	[tilespmem:$0x8100] =	vst v63  }
0x72: {  	p0 =	sne.s32 s8, $0x1;
	_ =	swait.ge [sflag:s30], $0x4000  }
.Ltmp0:
0x73: {  	[sflag:s30] =	ssyncset.done $0x0;
	(pc) =	sbr.rel @p0 .LBB2_1-.Ltmp0, $4  }
0x74: {  	[sflag:s30] =	ssyncadd.s32 $0xFFFFC000  }
0x75: {  	_ =	swait.ge [sflag:s31], $0x4000  }
0x76: {  	[sflag:s31] =	ssyncset.done $0x0  }
0x77: {  	s8 =	sadd.s32 $0xFFFFFFFF, s8;
	[sflag:s31] =	ssyncadd.s32 $0xFFFFC000  }
0x78: {  	_ =	sfence.sel $0x180000  }
0x79: {  	[bflag:$0x0] =	sbarrier.arrive $0xFFFF  }
0x7a: {  	p0 =	sne.s32 s1, $0x0;
	_ =	strace $0x9000004A  }
0x7b: {  	s0 =	sadd.s32 @!p0 $0x100000, s0;
	[bflag:$0x2] =	sbarrier.arrive $0xFFFF  }
0x7c: {  	[sflag:s0] =	ssyncadd.tile.s32 @!p0 $0x1;
	_ =	shalt  }
.Lfunc_end2:
_tile_overlayer_lowered:
.L_overlay_start_2:
0x7d: {  	(tag) =	ssettag $0x2  }
0x7e: {  	s0 =	rddreg [dreg:$0x0];
	s2 =	stileid.u32  }
0x7f: {  	s1 =	rddreg [dreg:$0x1];
	p0 =	sne.s32 s2, $0x0  }
0x80: {  	s3 =	rddreg [dreg:$0x2];
	[bflag:$0x3] =	sbarrier.arrive $0xFFFF;
	s2 =	simm.s32 @!p0 $0x1C05  }
0x81: {  	[timem:s3], [sflag:s2] =	dma.local @!p0 [hbm:s0], s1  }
0x82: {  	s0 =	simm.s32 @!p0 $0x5  }
0x83: {  	_ =	swait.ge @!p0 [sflag:s0], s1  }
0x84: {  	s1 =	ssub.s32 @!p0 $0x0, s1;
	[sflag:s0] =	ssyncset.done @!p0 $0x0  }
0x85: {  	[sflag:s0] =	ssyncadd.s32 @!p0 s1  }
0x86: {  	[bflag:$0x3] =	sbarrier.arrive $0xFFFF  }
0x87: {  	_ =	shalt  }

// kernel: kernel.7.cloned.1.call-start
scs
__scs_entry_jumppad:
0x0: {  	(pc) =	sbr.rel $0x88, $3  }
0x1: {  	(tag) =	ssettag $0x0;
	lr =	simm.s32 $0x1  }
0x2: {  	[smem:$0x3F94] =	sst lr;
	_ =	strace $0xD0000000  }
0x3: {  	_ = 	snop  }
0x4: {  	_ = 	snop  }
0x5: {  	_ = 	snop  }
0x6: {  	_ = 	snop  }
0x7: {  	_ = 	snop  }
__scs_overlays_trampoline_lowered:
0x8: {  	[smem:$0x3FA3] =	sst s0  }
0x9: {  	[smem:$0x3FA4] =	sst s1  }
0xa: {  	[smem:$0x3FA5] =	sst s2  }
0xb: {  	[smem:$0x3FA6] =	sst s3  }
0xc: {  	[smem:$0x3FA7] =	sst s4  }
0xd: {  	[smem:$0x3FA8] =	sst s5  }
0xe: {  	[smem:$0x3FA9] =	sst s6  }
0xf: {  	[smem:$0x3FAA] =	sst s7  }
0x10: {  	[smem:$0x3FAB] =	sst s8  }
0x11: {  	[smem:$0x3FAC] =	sst s9;
	s0 =	simm.s32 @!p0 $0x0  }
0x12: {  	s1 =	sld [smem:$0x3F92];
	s0 =	simm.s32 @p0 $0x1  }
0x13: {  	[smem:$0x3FAD] =	sst s0;
	s0 =	simm.s32 @!p1 $0x0  }
0x14: {  	s2 =	sld [smem:$0x3F91];
	s0 =	simm.s32 @p1 $0x1  }
0x15: {  	[smem:$0x3FAE] =	sst s0;
	s0 =	simm.s32 @!p2 $0x0  }
0x16: {  	s3 =	sld [smem:$0x3FDB];
	s0 =	simm.s32 @p2 $0x1  }
0x17: {  	s4 =	simm.s32 $0x1BF5;
	[smem:$0x3FB0] =	sst s0  }
0x18: {  	s0 =	sld [smem:$0x3F93];
	_ =	swait.ge [sflag:s4], $0x0  }
0x19: {  	s7 =	sld [smem:$0x3F94]  }
0x1a: {  	s8 =	sadd.s32 $0xFFFFE003, lr  }
0x1b: {  	s9 =	sadd.s32 $0xFFFFFEF7, lr;
	s5 =	simm.s32 $0xFFFFFFFF;
	p2 =	slt.u32 s8, $0xFFFFF086  }
0x1c: {  	p1 =	slt.u32 s9, $0xF7A;
	s5 =	simm.s32 @!p2 $0x0  }
0x1d: {  	s5 =	simm.s32 @p1 $0x1;
	p0 =	seq.s32 s7, s2  }
0x1e: {  	s7 =	smul.u32 @!p0 $0xF7A, s2;
	p2 =	seq.s32 @!p0 s5, $0x0  }
0x1f: {  	s9 =	smul.u32 $0xF7A, s1;
	s8 =	simm.s32 @!p0 $0x1BF5;
	p2 =	por !p2, p0  }
0x20: {  	[sflag:s8] =	ssyncset.s32 @!p0 $0xFFFFF086;
	s6 =	sadd.s32 @!p0 s3, s7;
	s7 =	simm.s32 @!p0 $0x108  }
0x21: {  	s3 =	sadd.s32 s3, s9;
	s6 =	sadd.s32 @!p0 $0x88, s6;
	s7 =	simm.s32 @p2 $0x1082  }
0x22: {  	[simem:s7], [sflag:s8] =	dma.local @!p0 [hbm:s6], $0xF7A  }
0x23: {  	s9 =	sor.u32 $0xD0000000, s2;
	s6 =	simm.s32 $0x108;
	_ =	swait.ge @!p0 [sflag:s8], $0x0  }
0x24: {  	s3 =	sadd.s32 $0x88, s3;
	s6 =	simm.s32 @!p1 $0x1082;
	[sflag:s4] =	ssyncset.s32 $0xFFFFF086  }
0x25: {  	[simem:s6], [sflag:s4] =	dma.local [hbm:s3], $0xF7A  }
0x26: {  	[smem:$0x3F94] =	sst s1;
	(tag) =	ssettag s2;
	_ =	strace s9  }
0x27: {  	s1 =	sld [smem:$0x3FA4]  }
0x28: {  	s2 =	sld [smem:$0x3FA5]  }
0x29: {  	s4 =	sld [smem:$0x3FA7]  }
0x2a: {  	p0 =	seq.s32 s5, $0x0;
	s5 =	sld [smem:$0x3FA8]  }
0x2b: {  	s6 =	sld [smem:$0x3FA9]  }
0x2c: {  	s7 =	sld [smem:$0x3FAA]  }
0x2d: {  	s3 =	simm.s32 $0x108;
	s8 =	sld [smem:$0x3FAB]  }
0x2e: {  	s3 =	simm.s32 @!p0 $0x1082;
	s9 =	sld [smem:$0x3FAC]  }
0x2f: {  	lr =	sadd.s32 s0, s3;
	s0 =	sld [smem:$0x3FA3]  }
0x30: {  	s3 =	sld [smem:$0x3FA6]  }
0x31: {  	[smem:$0x3FAF] =	sst s10  }
0x32: {  	s10 =	sld [smem:$0x3FAD];
	_ =	sdelay $0x3  }
0x33: {  	p0 =	seq.s32 s10, $0x1;
	s10 =	sld [smem:$0x3FAF];
	_ =	sdelay $0x3  }
0x34: {  	[smem:$0x3FAF] =	sst s10  }
0x35: {  	s10 =	sld [smem:$0x3FAE];
	_ =	sdelay $0x3  }
0x36: {  	p1 =	seq.s32 s10, $0x1;
	s10 =	sld [smem:$0x3FAF];
	_ =	sdelay $0x3  }
0x37: {  	[smem:$0x3FAF] =	sst s10  }
0x38: {  	s10 =	sld [smem:$0x3FB0]  }
0x39: {  	_ = 	snop;
	(pc) =	sbr.ind lr, $3  }
0x3a: {  	_ = 	snop  }
0x3b: {  	_ = 	snop  }
0x3c: {  	p2 =	seq.s32 s10, $0x1;
	s10 =	sld [smem:$0x3FAF]  }
0x3d: {  	_ =	shalt  }
0x3e: {  	_ =	shalt  }
0x3f: {  	_ =	shalt  }
0x40: {  	_ =	shalt  }
0x41: {  	_ =	shalt  }
0x42: {  	_ =	shalt  }
0x43: {  	_ =	shalt  }
0x44: {  	_ =	shalt  }
0x45: {  	_ =	shalt  }
0x46: {  	_ =	shalt  }
0x47: {  	_ =	shalt  }
0x48: {  	_ =	shalt  }
0x49: {  	_ =	shalt  }
0x4a: {  	_ =	shalt  }
0x4b: {  	_ =	shalt  }
0x4c: {  	_ =	shalt  }
0x4d: {  	_ =	shalt  }
0x4e: {  	_ =	shalt  }
0x4f: {  	_ =	shalt  }
0x50: {  	_ =	shalt  }
0x51: {  	_ =	shalt  }
0x52: {  	_ =	shalt  }
0x53: {  	_ =	shalt  }
0x54: {  	_ =	shalt  }
0x55: {  	_ =	shalt  }
0x56: {  	_ =	shalt  }
0x57: {  	_ =	shalt  }
0x58: {  	_ =	shalt  }
0x59: {  	_ =	shalt  }
0x5a: {  	_ =	shalt  }
0x5b: {  	_ =	shalt  }
0x5c: {  	_ =	shalt  }
0x5d: {  	_ =	shalt  }
0x5e: {  	_ =	shalt  }
0x5f: {  	_ =	shalt  }
0x60: {  	_ =	shalt  }
0x61: {  	_ =	shalt  }
0x62: {  	_ =	shalt  }
0x63: {  	_ =	shalt  }
0x64: {  	_ =	shalt  }
0x65: {  	_ =	shalt  }
0x66: {  	_ =	shalt  }
0x67: {  	_ =	shalt  }
0x68: {  	_ =	shalt  }
0x69: {  	_ =	shalt  }
0x6a: {  	_ =	shalt  }
0x6b: {  	_ =	shalt  }
0x6c: {  	_ =	shalt  }
0x6d: {  	_ =	shalt  }
0x6e: {  	_ =	shalt  }
0x6f: {  	_ =	shalt  }
0x70: {  	_ =	shalt  }
0x71: {  	_ =	shalt  }
0x72: {  	_ =	shalt  }
0x73: {  	_ =	shalt  }
0x74: {  	_ =	shalt  }
0x75: {  	_ =	shalt  }
0x76: {  	_ =	shalt  }
0x77: {  	_ =	shalt  }
0x78: {  	_ =	shalt  }
0x79: {  	_ =	shalt  }
0x7a: {  	_ =	shalt  }
0x7b: {  	_ =	shalt  }
0x7c: {  	_ =	shalt  }
0x7d: {  	_ =	shalt  }
0x7e: {  	_ =	shalt  }
0x7f: {  	_ =	shalt  }
0x80: {  	_ =	shalt  }
0x81: {  	_ =	shalt  }
0x82: {  	_ =	shalt  }
0x83: {  	_ =	shalt  }
0x84: {  	_ =	shalt  }
0x85: {  	_ =	shalt  }
0x86: {  	_ =	shalt  }
0x87: {  	_ =	shalt  }
.Lfunc_end0:
.L_simem_size_0:
called_computation_lowered:
.L_overlay_start_0:
0x88: {  	s2 =	sld [smem:$0x3FD9]  }
0x89: {  	s3 =	sld [smem:$0x3FFE];
	_ =	sdelay $0x1  }
0x8a: {  	s1 =	srdreg.scid  }
0x8b: {  	s0 =	sand.u32 $0x1, s1  }
0x8c: {  	s14 =	sshll.u32 s0, $0xA;
	s2 =	sadd.s32 s3, s2  }
0x8d: {  	s2 =	sadd.s32 s2, s14  }
0x8e: {  	[smem:$0x3FBB] =	sst s2  }
0x8f: {  	_ = 	snop  }
0x90: {  	s2 =	sld [smem:$0x3FD0];
	_ =	sdelay $0x2  }
0x91: {  	s4 =	simm.s32 $0xA;
	s5 =	simm.s32 $0x10;
	s15 =	sld [smem:$0x3FC9]  }
0x92: {  	[smem:s5], [sflag:s4] =	dma.local [hbm:s2], $0x1  }
0x93: {  	_ =	swait.eq [sflag:s4], $0x1  }
0x94: {  	[sflag:s4] =	ssyncset.done $0x0  }
0x95: {  	[sflag:s4] =	ssyncadd.s32 $0xFFFFFFFF  }
0x96: {  	s16 =	sld [smem:$0x11];
	(tm) =	ssettm $0x1  }
0x97: {  	s17 =	sld [smem:$0x3FFB];
	_ =	sdelay $0x3  }
0x98: {  	_ =	strace s17  }
0x99: {  	s4 =	sld [smem:$0x3FFC];
	_ =	sdelay $0x3  }
0x9a: {  	_ =	strace s4  }
0x9b: {  	s4 =	sld [smem:$0x3FFD];
	_ =	sdelay $0x3  }
0x9c: {  	_ =	strace s4  }
0x9d: {  	_ =	strace $0x8FFFFFFF  }
0x9e: {  	s18 =	sld [smem:$0x3FDB];
	_ =	sdelay $0x1  }
0x9f: {  	s19 =	simm.s32 $_scs_section_size  }
0xa0: {  	s6 =	simm.s32 $_size__tile_overlayer_lowered;
	s7 =	simm.s32 $_tile_overlayer_lowered  }
0xa1: {  	s22 =	simm.s32 $0x1BFF;
	s21 =	sshll.u32 s7, $0x1;
	s4 =	sadd.s32 s19, s18  }
0xa2: {  	s8 =	simm.s32 $0x0;
	s20 =	sshll.u32 s6, $0x1;
	s6 =	sadd.s32 s21, s4  }
0xa3: {  	[timem:s8], [sflag:s22] =	dma.local [hbm:s6], s20  }
0xa4: {  	_ =	swait.ge [sflag:s22], s20  }
0xa5: {  	s5 =	ssub.s32 $0x0, s20;
	[sflag:s22] =	ssyncset.done $0x0  }
0xa6: {  	[sflag:s22] =	ssyncadd.s32 s5;
	_ =	sdelay $0x1  }
0xa7: {  	s23 =	simm.s32 $0x1B8B  }
0xa8: {  	_ =	swait.ge [sflag:s23], $0x1  }
0xa9: {  	[sflag:s23] =	ssyncset.done $0x0  }
0xaa: {  	s25 =	simm.s32 $0x1B8E;
	s24 =	sld [smem:$0x3FFE];
	[sflag:s23] =	ssyncadd.s32 $0xFFFFFFFF  }
0xab: {  	s26 =	simm.s32 $execute0_lowered;
	[smem:$0x3FD2] =	sst s25  }
0xac: {  	s6 =	sshll.u32 s26, $0x1;
	_ =	strace $0x80000046;
	[dreg:$0x1] =	wrdreg $0xFFFFFFFF  }
0xad: {  	s28 =	simm.s32 $_size_execute0_lowered;
	s4 =	sadd.s32 s4, s6;
	[dreg:$0x0] =	wrdreg $0x0  }
0xae: {  	s6 =	sshll.u32 s28, $0x1;
	[dreg:$0x2] =	wrdreg s4  }
0xaf: {  	[dreg:$0x3] =	wrdreg s6  }
0xb0: {  	[dreg:$0x4] =	wrdreg $0xC0  }
0xb1: {  	_ =	task [dreg:s8], $0x5FFFF  }
0xb2: {  	[dreg:$0x1] =	wrdreg $0xFFFFFFFF  }
0xb3: {  	[dreg:$0x0] =	wrdreg $0x60  }
0xb4: {  	[dreg:$0x2] =	wrdreg s16  }
0xb5: {  	[dreg:$0x3] =	wrdreg s15  }
0xb6: {  	[dreg:$0x4] =	wrdreg s24  }
0xb7: {  	[dreg:$0x5] =	wrdreg $0x9  }
0xb8: {  	_ =	task.clear_ibuf [dreg:s8], $0x6FFFF;
	_ =	strace $0x90000046  }
0xb9: {  	s29 =	simm.s32 $0x9;
	_ =	strace $0x80000048  }
0xba: {  	_ =	swait.ge [sflag:s29], $0x1  }
0xbb: {  	[sflag:s29] =	ssyncadd.s32 $0xFFFFFFFF  }
0xbc: {  	_ =	strace $0x90000048  }
0xbd: {  	_ =	sfence  }
0xbe: {  	s30 =	sld [smem:$0x0];
	_ =	sdelay $0x2  }
0xbf: {  	s31 =	sshll.u32 s1, $0xD;
	s1 =	sshrl.u32 s1, $0x2  }
0xc0: {  	s3 =	sand.u32 $0x4000, s31;
	s1 =	sadd.s32 s1, s30  }
0xc1: {  	s0 =	sor.u32 s3, s0;
	s1 =	sshll.u32 s1, $0x11  }
0xc2: {  	s0 =	sor.u32 s1, s0  }
0xc3: {  	s0 =	sadd.s32 $0x8F2B, s0  }
0xc4: {  	[sflag:s0] =	ssyncadd.remote.s32 $0x1  }
0xc5: {  	_ =	sfence.sel $0xFFFF  }
0xc6: {  	[dreg:$0x0] =	wrdreg $0xFFFFFFFF;
	(pc) =	sbr.abs _section_cstart, $3  }
0xc7: {  	[dreg:$0x1] =	wrdreg $0xFFFFFFFF  }
0xc8: {  	_ =	task.clear_ibuf [dreg:s8], $0x2FFFF;
	_ =	strace $0x9FFFFFFF  }
0xc9: {  	(tm) =	ssettm $0x7FFFFFFF  }
tec
execute0_lowered:
.L_overlay_start_1:
0x0: {  	(tag) =	ssettag $0x1  }
0x1: {  	s0 =	rddreg [dreg:$0x0]  }
0x2: {  	s1 =	rddreg [dreg:$0x1]  }
0x3: {  	s2 =	srdreg.scid;
	s10 =	stileid.u32  }
0x4: {  	s8 =	rddreg [dreg:$0x2];
	s6 =	simm.s32 $0x1;
	s25 =	simm.s32 $0x400  }
0x5: {  	s26 =	simm.s32 $0x480;
	s28 =	simm.s32 $0x1D00;
	s29 =	simm.s32 $0x2500  }
0x6: {  	s30 =	simm.s32 $0x2D00;
	s31 =	simm.s32 $0x3500;
	s12 =	simm.s32 $0x4D00  }
0x7: {  	s13 =	simm.s32 $0x5500;
	s14 =	simm.s32 $0x5D00;
	s15 =	simm.s32 $0x6500  }
0x8: {  	s16 =	simm.s32 $0x6D00;
	s17 =	simm.s32 $0x7500;
	s18 =	simm.s32 $0x7D00  }
0x9: {  	s19 =	simm.s32 $0x8500;
	s20 =	simm.s32 $0x8D00;
	s11 =	simm.s32 $0xA500  }
0xa: {  	s5 =	sand.u32 $0x1, s2;
	s21 =	sshll.u32 s10, $0x1;
	s2 =	simm.s32 $0x0  }
0xb: {  	s3 =	sadd.s32 $0x2E00, s8;
	s4 =	sor.u32 s5, s21;
	p1 =	seq.s32 s5, $0x1  }
0xc: {  	[smem:$0x7FF] =	sst s2;
	s9 =	ssub.s32 $0x2, s5;
	s5 =	sshll.u32 s5, $0x6  }
0xd: {  	s21 =	simm.s32 $0x9500;
	p0 =	seq.s32 s4, $0x0;
	_ =	strace $0x80000047  }
0xe: {  	s7 =	sshll.u32 s4, $0x3;
	s22 =	sshrl.u32 s9, $0x1;
	[dreg:$0x8] =	wrdreg s25  }
0xf: {  	s4 =	sshll.u32 s4, $0xD;
	[dreg:$0x9] =	wrdreg s26;
	s25 =	simm.s32 $0xD00  }
0x10: {  	s26 =	simm.s32 $0x1500;
	p0 =	por !p0, !p1;
	s7 =	sadd.s32 s7, s8  }
0x11: {  	s9 =	ssub.s32 s9, s22;
	s1 =	sadd.s32 s1, s4;
	p0 =	por !p0, !p0  }
0x12: {  	s4 =	simm.s32 $0x1;
	s22 =	simm.s32 $0xAD00;
	s6 =	simm.s32 @!p0 $0x0  }
0x13: {  	[dreg:$0x4] =	wrdreg s1;
	s23 =	sadd.s32 $0xC2E00, s7;
	s6 =	ssub.s32 s10, s6  }
0x14: {  	s24 =	sadd.s32 $0xC3000, s7;
	s7 =	sadd.s32 $0x3000, s8;
	s6 =	sshll.u32 s6, $0x7  }
0x15: {  	v2 =	vlaneseq.u32;
	s9 =	smax.u32 s9, $0x1;
	[dreg:$0x6] =	wrdreg s23;
	s6 =	sand.u32 $0x1FFFFF80, s6  }
0x16: {  	vm0 =	vmmov $0xffff;
	v1 =	vshrl.u32 v2, $0x3;
	[dreg:$0x7] =	wrdreg s24;
	s10 =	simm.s32 $0x9D00;
	s0 =	sadd.s32 s0, s6  }
0x17: {  	v0 =	vand.u32 $0x7, v2;
	v2 =	vor.u32 $0x8, v2;
	v1 =	vmul.u32 $0x8, v1;
	s6 =	sadd.s32 $0x2F00, s8;
	s8 =	sadd.s32 $0x3100, s8;
	[dreg:$0x5] =	wrdreg s0  }
.LBB2_1:
0x18: {  	s23 =	rddreg [dreg:$0x4];
	s0 =	simm.s32 $0x500  }
0x19: {  	[tilespmem:s0], [sflag:$0x1] =	stream.linear.gather [hbm4b:s23+s2], $0x10000, $0x38;
	[tilespmem:$0x10500] =	vst v63  }
0x1a: {  	s24 =	rddreg [dreg:$0x5];
	s23 =	simm.s32 $0x3  }
0x1b: {  	[tilespmem:s2], [sflag:$0x3] =	stream.linear.gather [hbm4b:s24+s2], $0x400, $0x38;
	[tilespmem:$0x10500] =	vst v63  }
0x1c: {  	_ =	swait.ge [sflag:s23], $0x400  }
0x1d: {  	[sflag:s23] =	ssyncset.done $0x0  }
0x1e: {  	[sflag:s23] =	ssyncadd.s32 $0xFFFFFC00  }
0x1f: {  	v3 =	vld [tilespmem:s5+$0x0];
	_ =	sdelay $0x4  }
0x20: {  	v3 =	vtrunc.f32 v3  }
0x21: {  	v3 =	vcvt.f32.s32 v3;
	_ =	sdelay $0x1  }
0x22: {  	[tilespmem:$0x400] =	vst v3  }
0x23: {  	v3 =	vld [tilespmem:s5+$0x80];
	_ =	sdelay $0x4  }
0x24: {  	v3 =	vtrunc.f32 v3  }
0x25: {  	v3 =	vcvt.f32.s32 v3;
	_ =	sdelay $0x1  }
0x26: {  	[tilespmem:$0x480] =	vst v3  }
0x27: {  	v3 =	vld [tilespmem:s5+$0x10];
	_ =	sdelay $0x4  }
0x28: {  	v3 =	vtrunc.f32 v3  }
0x29: {  	v3 =	vcvt.f32.s32 v3;
	_ =	sdelay $0x1  }
0x2a: {  	[tilespmem:$0x410] =	vst v3  }
0x2b: {  	v3 =	vld [tilespmem:s5+$0x90];
	_ =	sdelay $0x4  }
0x2c: {  	v3 =	vtrunc.f32 v3  }
0x2d: {  	v3 =	vcvt.f32.s32 v3;
	_ =	sdelay $0x1  }
0x2e: {  	[tilespmem:$0x490] =	vst v3  }
0x2f: {  	v3 =	vld [tilespmem:s5+$0x20];
	_ =	sdelay $0x4  }
0x30: {  	v3 =	vtrunc.f32 v3  }
0x31: {  	v3 =	vcvt.f32.s32 v3;
	_ =	sdelay $0x1  }
0x32: {  	[tilespmem:$0x420] =	vst v3  }
0x33: {  	v3 =	vld [tilespmem:s5+$0xA0];
	_ =	sdelay $0x4  }
0x34: {  	v3 =	vtrunc.f32 v3  }
0x35: {  	v3 =	vcvt.f32.s32 v3;
	_ =	sdelay $0x1  }
0x36: {  	[tilespmem:$0x4A0] =	vst v3  }
0x37: {  	v3 =	vld [tilespmem:s5+$0x30];
	_ =	sdelay $0x4  }
0x38: {  	v3 =	vtrunc.f32 v3  }
0x39: {  	v3 =	vcvt.f32.s32 v3;
	_ =	sdelay $0x1  }
0x3a: {  	[tilespmem:$0x430] =	vst v3  }
0x3b: {  	v3 =	vld [tilespmem:s5+$0xB0];
	_ =	sdelay $0x4  }
0x3c: {  	v3 =	vtrunc.f32 v3  }
0x3d: {  	v3 =	vcvt.f32.s32 v3  }
0x3e: {  	s24 =	rddreg [dreg:$0x6]  }
0x3f: {  	s0 =	rddreg [dreg:$0x8];
	[tilespmem:$0x4B0] =	vst v3  }
0x40: {  	[hbm4b:s24+s2] =	stream.linear.scatter [tilespmem:s0], [sflag:$0x2], $0x40, $0x38;
	[tilespmem:$0x10500] =	vst v63  }
0x41: {  	_ =	swait.ge [sflag:s4], $0x10000  }
0x42: {  	[sflag:s4] =	ssyncset.done $0x0  }
0x43: {  	[sflag:s4] =	ssyncadd.s32 $0xFFFF0000  }
0x44: {  	v3 =	vld [tilespmem:$0x400];
	_ =	sdelay $0x4  }
0x45: {  	v4 =	vshll.u32 v3, $0x3  }
0x46: {  	v3 =	vand.u32 $0x7, v3;
	v4 =	vand.u32 $0xFFFFFFC0, v4  }
0x47: {  	v3 =	vor.u32 v3, v4  }
0x48: {  	v4 =	vperm.xlane v3, v0;
	_ =	sdelay $0x1  }
0x49: {  	v4 =	vadd.s32 v1, v4;
	_ =	sdelay $0x3  }
0x4a: {  	s1 =	simm.s32 $0x500  }
0x4b: {  	[hbm4b:s3+s2] =	stream.indirect_vreg.scatter [tilespmem:s1], [sflag:$0x1], $0x80, v4, vm0, $0xb8;
	[tilespmem:$0x10500] =	vst v63  }
0x4c: {  	v3 =	vperm.xlane v3, v2  }
0x4d: {  	[hbm4b:s6+s2] =	stream.indirect_vreg.scatter [tilespmem:s25], [sflag:$0x1], $0x80, v4, vm0, $0xb8;
	[tilespmem:$0x10500] =	vst v63  }
0x4e: {  	v3 =	vadd.s32 v1, v3  }
0x4f: {  	[hbm4b:s7+s2] =	stream.indirect_vreg.scatter [tilespmem:s26], [sflag:$0x1], $0x80, v4, vm0, $0xb8;
	[tilespmem:$0x10500] =	vst v63  }
0x50: {  	_ = 	snop  }
0x51: {  	[hbm4b:s8+s2] =	stream.indirect_vreg.scatter [tilespmem:s28], [sflag:$0x1], $0x80, v4, vm0, $0xb8;
	[tilespmem:$0x10500] =	vst v63  }
0x52: {  	_ = 	snop  }
0x53: {  	[hbm4b:s3+s2] =	stream.indirect_vreg.scatter [tilespmem:s29], [sflag:$0x1], $0x80, v3, vm0, $0xb8;
	[tilespmem:$0x10500] =	vst v63  }
0x54: {  	_ = 	snop  }
0x55: {  	[hbm4b:s6+s2] =	stream.indirect_vreg.scatter [tilespmem:s30], [sflag:$0x1], $0x80, v3, vm0, $0xb8;
	[tilespmem:$0x10500] =	vst v63  }
0x56: {  	_ = 	snop  }
0x57: {  	[hbm4b:s7+s2] =	stream.indirect_vreg.scatter [tilespmem:s31], [sflag:$0x1], $0x80, v3, vm0, $0xb8;
	[tilespmem:$0x10500] =	vst v63  }
0x58: {  	s1 =	simm.s32 $0x3D00  }
0x59: {  	[hbm4b:s8+s2] =	stream.indirect_vreg.scatter [tilespmem:s1], [sflag:$0x1], $0x80, v3, vm0, $0xb8;
	[tilespmem:$0x10500] =	vst v63  }
0x5a: {  	v3 =	vld [tilespmem:$0x410];
	_ =	sdelay $0x4  }
0x5b: {  	v57 =	vshll.u32 v3, $0x3  }
0x5c: {  	v3 =	vand.u32 $0x7, v3;
	v4 =	vand.u32 $0xFFFFFFC0, v57  }
0x5d: {  	v3 =	vor.u32 v3, v4  }
0x5e: {  	v4 =	vperm.xlane v3, v0;
	_ =	sdelay $0x1  }
0x5f: {  	v4 =	vadd.s32 v1, v4;
	_ =	sdelay $0x3  }
0x60: {  	s23 =	simm.s32 $0x4500  }
0x61: {  	[hbm4b:s3+s2] =	stream.indirect_vreg.scatter [tilespmem:s23], [sflag:$0x1], $0x80, v4, vm0, $0xb8;
	[tilespmem:$0x10500] =	vst v63  }
0x62: {  	v3 =	vperm.xlane v3, v2  }
0x63: {  	[hbm4b:s6+s2] =	stream.indirect_vreg.scatter [tilespmem:s12], [sflag:$0x1], $0x80, v4, vm0, $0xb8;
	[tilespmem:$0x10500] =	vst v63  }
0x64: {  	v3 =	vadd.s32 v1, v3  }
0x65: {  	[hbm4b:s7+s2] =	stream.indirect_vreg.scatter [tilespmem:s13], [sflag:$0x1], $0x80, v4, vm0, $0xb8;
	[tilespmem:$0x10500] =	vst v63  }
0x66: {  	_ = 	snop  }
0x67: {  	[hbm4b:s8+s2] =	stream.indirect_vreg.scatter [tilespmem:s14], [sflag:$0x1], $0x80, v4, vm0, $0xb8;
	[tilespmem:$0x10500] =	vst v63  }
0x68: {  	_ = 	snop  }
0x69: {  	[hbm4b:s3+s2] =	stream.indirect_vreg.scatter [tilespmem:s15], [sflag:$0x1], $0x80, v3, vm0, $0xb8;
	[tilespmem:$0x10500] =	vst v63  }
0x6a: {  	_ = 	snop  }
0x6b: {  	[hbm4b:s6+s2] =	stream.indirect_vreg.scatter [tilespmem:s16], [sflag:$0x1], $0x80, v3, vm0, $0xb8;
	[tilespmem:$0x10500] =	vst v63  }
0x6c: {  	_ = 	snop  }
0x6d: {  	[hbm4b:s7+s2] =	stream.indirect_vreg.scatter [tilespmem:s17], [sflag:$0x1], $0x80, v3, vm0, $0xb8;
	[tilespmem:$0x10500] =	vst v63  }
0x6e: {  	_ = 	snop  }
0x6f: {  	[hbm4b:s8+s2] =	stream.indirect_vreg.scatter [tilespmem:s18], [sflag:$0x1], $0x80, v3, vm0, $0xb8;
	[tilespmem:$0x10500] =	vst v63  }
0x70: {  	v3 =	vld [tilespmem:$0x420];
	_ =	sdelay $0x4  }
0x71: {  	v58 =	vshll.u32 v3, $0x3  }
0x72: {  	v3 =	vand.u32 $0x7, v3;
	v4 =	vand.u32 $0xFFFFFFC0, v58  }
0x73: {  	v3 =	vor.u32 v3, v4  }
0x74: {  	v4 =	vperm.xlane v3, v0;
	_ =	sdelay $0x1  }
0x75: {  	v4 =	vadd.s32 v1, v4;
	_ =	sdelay $0x4  }
0x76: {  	[hbm4b:s3+s2] =	stream.indirect_vreg.scatter [tilespmem:s19], [sflag:$0x1], $0x80, v4, vm0, $0xb8;
	[tilespmem:$0x10500] =	vst v63  }
0x77: {  	v3 =	vperm.xlane v3, v2  }
0x78: {  	[hbm4b:s6+s2] =	stream.indirect_vreg.scatter [tilespmem:s20], [sflag:$0x1], $0x80, v4, vm0, $0xb8;
	[tilespmem:$0x10500] =	vst v63  }
0x79: {  	v3 =	vadd.s32 v1, v3  }
0x7a: {  	[hbm4b:s7+s2] =	stream.indirect_vreg.scatter [tilespmem:s21], [sflag:$0x1], $0x80, v4, vm0, $0xb8;
	[tilespmem:$0x10500] =	vst v63  }
0x7b: {  	_ = 	snop  }
0x7c: {  	[hbm4b:s8+s2] =	stream.indirect_vreg.scatter [tilespmem:s10], [sflag:$0x1], $0x80, v4, vm0, $0xb8;
	[tilespmem:$0x10500] =	vst v63  }
0x7d: {  	_ = 	snop  }
0x7e: {  	[hbm4b:s3+s2] =	stream.indirect_vreg.scatter [tilespmem:s11], [sflag:$0x1], $0x80, v3, vm0, $0xb8;
	[tilespmem:$0x10500] =	vst v63  }
0x7f: {  	_ = 	snop  }
0x80: {  	[hbm4b:s6+s2] =	stream.indirect_vreg.scatter [tilespmem:s22], [sflag:$0x1], $0x80, v3, vm0, $0xb8;
	[tilespmem:$0x10500] =	vst v63  }
0x81: {  	s24 =	simm.s32 $0xB500  }
0x82: {  	[hbm4b:s7+s2] =	stream.indirect_vreg.scatter [tilespmem:s24], [sflag:$0x1], $0x80, v3, vm0, $0xb8;
	[tilespmem:$0x10500] =	vst v63  }
0x83: {  	s23 =	simm.s32 $0xBD00  }
0x84: {  	[hbm4b:s8+s2] =	stream.indirect_vreg.scatter [tilespmem:s23], [sflag:$0x1], $0x80, v3, vm0, $0xb8;
	[tilespmem:$0x10500] =	vst v63  }
0x85: {  	v3 =	vld [tilespmem:$0x430];
	_ =	sdelay $0x4  }
0x86: {  	v59 =	vshll.u32 v3, $0x3  }
0x87: {  	v3 =	vand.u32 $0x7, v3;
	v4 =	vand.u32 $0xFFFFFFC0, v59  }
0x88: {  	v3 =	vor.u32 v3, v4  }
0x89: {  	v4 =	vperm.xlane v3, v0;
	_ =	sdelay $0x1  }
0x8a: {  	v4 =	vadd.s32 v1, v4;
	_ =	sdelay $0x3  }
0x8b: {  	s24 =	simm.s32 $0xC500  }
0x8c: {  	[hbm4b:s3+s2] =	stream.indirect_vreg.scatter [tilespmem:s24], [sflag:$0x1], $0x80, v4, vm0, $0xb8;
	[tilespmem:$0x10500] =	vst v63  }
0x8d: {  	s23 =	simm.s32 $0xCD00;
	v3 =	vperm.xlane v3, v2  }
0x8e: {  	[hbm4b:s6+s2] =	stream.indirect_vreg.scatter [tilespmem:s23], [sflag:$0x1], $0x80, v4, vm0, $0xb8;
	[tilespmem:$0x10500] =	vst v63  }
0x8f: {  	v3 =	vadd.s32 v1, v3;
	s24 =	simm.s32 $0xD500  }
0x90: {  	[hbm4b:s7+s2] =	stream.indirect_vreg.scatter [tilespmem:s24], [sflag:$0x1], $0x80, v4, vm0, $0xb8;
	[tilespmem:$0x10500] =	vst v63  }
0x91: {  	s23 =	simm.s32 $0xDD00  }
0x92: {  	[hbm4b:s8+s2] =	stream.indirect_vreg.scatter [tilespmem:s23], [sflag:$0x1], $0x80, v4, vm0, $0xb8;
	[tilespmem:$0x10500] =	vst v63  }
0x93: {  	s24 =	simm.s32 $0xE500  }
0x94: {  	[hbm4b:s3+s2] =	stream.indirect_vreg.scatter [tilespmem:s24], [sflag:$0x1], $0x80, v3, vm0, $0xb8;
	[tilespmem:$0x10500] =	vst v63  }
0x95: {  	s23 =	simm.s32 $0xED00  }
0x96: {  	[hbm4b:s6+s2] =	stream.indirect_vreg.scatter [tilespmem:s23], [sflag:$0x1], $0x80, v3, vm0, $0xb8;
	[tilespmem:$0x10500] =	vst v63  }
0x97: {  	s24 =	simm.s32 $0xF500  }
0x98: {  	[hbm4b:s7+s2] =	stream.indirect_vreg.scatter [tilespmem:s24], [sflag:$0x1], $0x80, v3, vm0, $0xb8;
	[tilespmem:$0x10500] =	vst v63  }
0x99: {  	s0 =	simm.s32 $0x2;
	s23 =	simm.s32 $0xFD00  }
0x9a: {  	[hbm4b:s8+s2] =	stream.indirect_vreg.scatter [tilespmem:s23], [sflag:$0x1], $0x80, v3, vm0, $0xb8;
	[tilespmem:$0x10500] =	vst v63  }
0x9b: {  	_ =	swait.ge [sflag:s0], $0x40  }
0x9c: {  	s23 =	rddreg [dreg:$0x7];
	[sflag:s0] =	ssyncset.done $0x0  }
0x9d: {  	s24 =	rddreg [dreg:$0x9];
	[sflag:s0] =	ssyncadd.s32 $0xFFFFFFC0  }
0x9e: {  	[hbm4b:s23+s2] =	stream.linear.scatter [tilespmem:s24], [sflag:$0x2], $0x40, $0x38;
	[tilespmem:$0x10500] =	vst v63  }
0x9f: {  	_ =	swait.ge [sflag:s4], $0x10000  }
0xa0: {  	[sflag:s4] =	ssyncset.done $0x0  }
0xa1: {  	[sflag:s4] =	ssyncadd.s32 $0xFFFF0000  }
0xa2: {  	v3 =	vld [tilespmem:$0x480];
	_ =	sdelay $0x4  }
0xa3: {  	v60 =	vshll.u32 v3, $0x3  }
0xa4: {  	v3 =	vand.u32 $0x7, v3;
	v4 =	vand.u32 $0xFFFFFFC0, v60  }
0xa5: {  	v3 =	vor.u32 v3, v4  }
0xa6: {  	v4 =	vperm.xlane v3, v0;
	_ =	sdelay $0x1  }
0xa7: {  	v4 =	vadd.s32 v1, v4;
	_ =	sdelay $0x3  }
0xa8: {  	s24 =	simm.s32 $0x500  }
0xa9: {  	[hbm4b:s3+s2] =	stream.indirect_vreg.scatter [tilespmem:s24], [sflag:$0x1], $0x80, v4, vm0, $0xb8;
	[tilespmem:$0x10500] =	vst v63  }
0xaa: {  	v3 =	vperm.xlane v3, v2  }
0xab: {  	[hbm4b:s6+s2] =	stream.indirect_vreg.scatter [tilespmem:s25], [sflag:$0x1], $0x80, v4, vm0, $0xb8;
	[tilespmem:$0x10500] =	vst v63  }
0xac: {  	v3 =	vadd.s32 v1, v3  }
0xad: {  	[hbm4b:s7+s2] =	stream.indirect_vreg.scatter [tilespmem:s26], [sflag:$0x1], $0x80, v4, vm0, $0xb8;
	[tilespmem:$0x10500] =	vst v63  }
0xae: {  	_ = 	snop  }
0xaf: {  	[hbm4b:s8+s2] =	stream.indirect_vreg.scatter [tilespmem:s28], [sflag:$0x1], $0x80, v4, vm0, $0xb8;
	[tilespmem:$0x10500] =	vst v63  }
0xb0: {  	_ = 	snop  }
0xb1: {  	[hbm4b:s3+s2] =	stream.indirect_vreg.scatter [tilespmem:s29], [sflag:$0x1], $0x80, v3, vm0, $0xb8;
	[tilespmem:$0x10500] =	vst v63  }
0xb2: {  	_ = 	snop  }
0xb3: {  	[hbm4b:s6+s2] =	stream.indirect_vreg.scatter [tilespmem:s30], [sflag:$0x1], $0x80, v3, vm0, $0xb8;
	[tilespmem:$0x10500] =	vst v63  }
0xb4: {  	_ = 	snop  }
0xb5: {  	[hbm4b:s7+s2] =	stream.indirect_vreg.scatter [tilespmem:s31], [sflag:$0x1], $0x80, v3, vm0, $0xb8;
	[tilespmem:$0x10500] =	vst v63  }
0xb6: {  	_ = 	snop  }
0xb7: {  	[hbm4b:s8+s2] =	stream.indirect_vreg.scatter [tilespmem:s1], [sflag:$0x1], $0x80, v3, vm0, $0xb8;
	[tilespmem:$0x10500] =	vst v63  }
0xb8: {  	v3 =	vld [tilespmem:$0x490];
	_ =	sdelay $0x4  }
0xb9: {  	v61 =	vshll.u32 v3, $0x3  }
0xba: {  	v3 =	vand.u32 $0x7, v3;
	v4 =	vand.u32 $0xFFFFFFC0, v61  }
0xbb: {  	v3 =	vor.u32 v3, v4  }
0xbc: {  	v4 =	vperm.xlane v3, v0;
	_ =	sdelay $0x1  }
0xbd: {  	v4 =	vadd.s32 v1, v4;
	_ =	sdelay $0x3  }
0xbe: {  	s24 =	simm.s32 $0x4500  }
0xbf: {  	[hbm4b:s3+s2] =	stream.indirect_vreg.scatter [tilespmem:s24], [sflag:$0x1], $0x80, v4, vm0, $0xb8;
	[tilespmem:$0x10500] =	vst v63  }
0xc0: {  	v3 =	vperm.xlane v3, v2  }
0xc1: {  	[hbm4b:s6+s2] =	stream.indirect_vreg.scatter [tilespmem:s12], [sflag:$0x1], $0x80, v4, vm0, $0xb8;
	[tilespmem:$0x10500] =	vst v63  }
0xc2: {  	v3 =	vadd.s32 v1, v3  }
0xc3: {  	[hbm4b:s7+s2] =	stream.indirect_vreg.scatter [tilespmem:s13], [sflag:$0x1], $0x80, v4, vm0, $0xb8;
	[tilespmem:$0x10500] =	vst v63  }
0xc4: {  	_ = 	snop  }
0xc5: {  	[hbm4b:s8+s2] =	stream.indirect_vreg.scatter [tilespmem:s14], [sflag:$0x1], $0x80, v4, vm0, $0xb8;
	[tilespmem:$0x10500] =	vst v63  }
0xc6: {  	_ = 	snop  }
0xc7: {  	[hbm4b:s3+s2] =	stream.indirect_vreg.scatter [tilespmem:s15], [sflag:$0x1], $0x80, v3, vm0, $0xb8;
	[tilespmem:$0x10500] =	vst v63  }
0xc8: {  	_ = 	snop  }
0xc9: {  	[hbm4b:s6+s2] =	stream.indirect_vreg.scatter [tilespmem:s16], [sflag:$0x1], $0x80, v3, vm0, $0xb8;
	[tilespmem:$0x10500] =	vst v63  }
0xca: {  	_ = 	snop  }
0xcb: {  	[hbm4b:s7+s2] =	stream.indirect_vreg.scatter [tilespmem:s17], [sflag:$0x1], $0x80, v3, vm0, $0xb8;
	[tilespmem:$0x10500] =	vst v63  }
0xcc: {  	_ = 	snop  }
0xcd: {  	[hbm4b:s8+s2] =	stream.indirect_vreg.scatter [tilespmem:s18], [sflag:$0x1], $0x80, v3, vm0, $0xb8;
	[tilespmem:$0x10500] =	vst v63  }
0xce: {  	v3 =	vld [tilespmem:$0x4A0];
	_ =	sdelay $0x4  }
0xcf: {  	v62 =	vshll.u32 v3, $0x3  }
0xd0: {  	v3 =	vand.u32 $0x7, v3;
	v4 =	vand.u32 $0xFFFFFFC0, v62  }
0xd1: {  	v3 =	vor.u32 v3, v4  }
0xd2: {  	v4 =	vperm.xlane v3, v0;
	_ =	sdelay $0x1  }
0xd3: {  	v4 =	vadd.s32 v1, v4;
	_ =	sdelay $0x4  }
0xd4: {  	[hbm4b:s3+s2] =	stream.indirect_vreg.scatter [tilespmem:s19], [sflag:$0x1], $0x80, v4, vm0, $0xb8;
	[tilespmem:$0x10500] =	vst v63  }
0xd5: {  	v3 =	vperm.xlane v3, v2  }
0xd6: {  	[hbm4b:s6+s2] =	stream.indirect_vreg.scatter [tilespmem:s20], [sflag:$0x1], $0x80, v4, vm0, $0xb8;
	[tilespmem:$0x10500] =	vst v63  }
0xd7: {  	v3 =	vadd.s32 v1, v3  }
0xd8: {  	[hbm4b:s7+s2] =	stream.indirect_vreg.scatter [tilespmem:s21], [sflag:$0x1], $0x80, v4, vm0, $0xb8;
	[tilespmem:$0x10500] =	vst v63  }
0xd9: {  	_ = 	snop  }
0xda: {  	[hbm4b:s8+s2] =	stream.indirect_vreg.scatter [tilespmem:s10], [sflag:$0x1], $0x80, v4, vm0, $0xb8;
	[tilespmem:$0x10500] =	vst v63  }
0xdb: {  	_ = 	snop  }
0xdc: {  	[hbm4b:s3+s2] =	stream.indirect_vreg.scatter [tilespmem:s11], [sflag:$0x1], $0x80, v3, vm0, $0xb8;
	[tilespmem:$0x10500] =	vst v63  }
0xdd: {  	_ = 	snop  }
0xde: {  	[hbm4b:s6+s2] =	stream.indirect_vreg.scatter [tilespmem:s22], [sflag:$0x1], $0x80, v3, vm0, $0xb8;
	[tilespmem:$0x10500] =	vst v63  }
0xdf: {  	s23 =	simm.s32 $0xB500  }
0xe0: {  	[hbm4b:s7+s2] =	stream.indirect_vreg.scatter [tilespmem:s23], [sflag:$0x1], $0x80, v3, vm0, $0xb8;
	[tilespmem:$0x10500] =	vst v63  }
0xe1: {  	s24 =	simm.s32 $0xBD00  }
0xe2: {  	[hbm4b:s8+s2] =	stream.indirect_vreg.scatter [tilespmem:s24], [sflag:$0x1], $0x80, v3, vm0, $0xb8;
	[tilespmem:$0x10500] =	vst v63  }
0xe3: {  	v3 =	vld [tilespmem:$0x4B0];
	_ =	sdelay $0x4  }
0xe4: {  	v63 =	vshll.u32 v3, $0x3  }
0xe5: {  	v3 =	vand.u32 $0x7, v3;
	v4 =	vand.u32 $0xFFFFFFC0, v63  }
0xe6: {  	v3 =	vor.u32 v3, v4  }
0xe7: {  	v4 =	vperm.xlane v3, v0;
	_ =	sdelay $0x1  }
0xe8: {  	v4 =	vadd.s32 v1, v4;
	_ =	sdelay $0x3  }
0xe9: {  	s23 =	simm.s32 $0xC500  }
0xea: {  	[hbm4b:s3+s2] =	stream.indirect_vreg.scatter [tilespmem:s23], [sflag:$0x1], $0x80, v4, vm0, $0xb8;
	[tilespmem:$0x10500] =	vst v63  }
0xeb: {  	s24 =	simm.s32 $0xCD00;
	v3 =	vperm.xlane v3, v2  }
0xec: {  	[hbm4b:s6+s2] =	stream.indirect_vreg.scatter [tilespmem:s24], [sflag:$0x1], $0x80, v4, vm0, $0xb8;
	[tilespmem:$0x10500] =	vst v63  }
0xed: {  	v3 =	vadd.s32 v1, v3;
	s23 =	simm.s32 $0xD500  }
0xee: {  	[hbm4b:s7+s2] =	stream.indirect_vreg.scatter [tilespmem:s23], [sflag:$0x1], $0x80, v4, vm0, $0xb8;
	[tilespmem:$0x10500] =	vst v63  }
0xef: {  	s24 =	simm.s32 $0xDD00  }
0xf0: {  	[hbm4b:s8+s2] =	stream.indirect_vreg.scatter [tilespmem:s24], [sflag:$0x1], $0x80, v4, vm0, $0xb8;
	[tilespmem:$0x10500] =	vst v63  }
0xf1: {  	s23 =	simm.s32 $0xE500  }
0xf2: {  	[hbm4b:s3+s2] =	stream.indirect_vreg.scatter [tilespmem:s23], [sflag:$0x1], $0x80, v3, vm0, $0xb8;
	[tilespmem:$0x10500] =	vst v63  }
0xf3: {  	s24 =	simm.s32 $0xED00  }
0xf4: {  	[hbm4b:s6+s2] =	stream.indirect_vreg.scatter [tilespmem:s24], [sflag:$0x1], $0x80, v3, vm0, $0xb8;
	[tilespmem:$0x10500] =	vst v63  }
0xf5: {  	s23 =	simm.s32 $0xF500  }
0xf6: {  	[hbm4b:s7+s2] =	stream.indirect_vreg.scatter [tilespmem:s23], [sflag:$0x1], $0x80, v3, vm0, $0xb8;
	[tilespmem:$0x10500] =	vst v63  }
0xf7: {  	s24 =	simm.s32 $0xFD00  }
0xf8: {  	[hbm4b:s8+s2] =	stream.indirect_vreg.scatter [tilespmem:s24], [sflag:$0x1], $0x80, v3, vm0, $0xb8;
	[tilespmem:$0x10500] =	vst v63  }
0xf9: {  	p0 =	sne.s32 s9, $0x1;
	_ =	swait.ge [sflag:s0], $0x40  }
.Ltmp0:
0xfa: {  	[sflag:s0] =	ssyncset.done $0x0;
	(pc) =	sbr.rel @p0 .LBB2_1-.Ltmp0, $4  }
0xfb: {  	[sflag:s0] =	ssyncadd.s32 $0xFFFFFFC0  }
0xfc: {  	_ =	swait.ge [sflag:s4], $0x10000  }
0xfd: {  	[sflag:s4] =	ssyncset.done $0x0  }
0xfe: {  	s9 =	sadd.s32 $0xFFFFFFFF, s9;
	[sflag:s4] =	ssyncadd.s32 $0xFFFF0000  }
0xff: {  	_ =	sfence.sel $0x180000  }
0x100: {  	[bflag:$0x0] =	sbarrier.arrive $0xFFFF  }
0x101: {  	_ =	strace $0x90000047  }
0x102: {  	s0 =	stileid.u32;
	[bflag:$0x2] =	sbarrier.arrive $0xFFFF  }
0x103: {  	p0 =	sne.s32 s0, $0x0;
	s0 =	rddreg [dreg:$0x3]  }
0x104: {  	s0 =	sadd.s32 @!p0 $0x100000, s0  }
0x105: {  	[sflag:s0] =	ssyncadd.tile.s32 @!p0 $0x1;
	_ =	shalt  }
.Lfunc_end2:
_tile_overlayer_lowered:
.L_overlay_start_2:
0x106: {  	(tag) =	ssettag $0x2  }
0x107: {  	s0 =	rddreg [dreg:$0x0];
	s2 =	stileid.u32  }
0x108: {  	s1 =	rddreg [dreg:$0x1];
	p0 =	sne.s32 s2, $0x0  }
0x109: {  	s3 =	rddreg [dreg:$0x2];
	[bflag:$0x3] =	sbarrier.arrive $0xFFFF;
	s2 =	simm.s32 @!p0 $0x1C03  }
0x10a: {  	[timem:s3], [sflag:s2] =	dma.local @!p0 [hbm:s0], s1  }
0x10b: {  	s0 =	simm.s32 @!p0 $0x3  }
0x10c: {  	_ =	swait.ge @!p0 [sflag:s0], s1  }
0x10d: {  	s1 =	ssub.s32 @!p0 $0x0, s1;
	[sflag:s0] =	ssyncset.done @!p0 $0x0  }
0x10e: {  	[sflag:s0] =	ssyncadd.s32 @!p0 s1  }
0x10f: {  	[bflag:$0x3] =	sbarrier.arrive $0xFFFF  }
0x110: {  	_ =	shalt  }

</sc_bundles>
